<compile_context>
chip_gen: v7x
topology: tpu7x:2x2x1
jax: 0.10.2.dev20260603
libtpu: 0.0.44.dev20260713+nightly
codegen_flags: <defaults>
</compile_context>

<pallas_src>
import functools

import jax
import jax.numpy as jnp
from jax import lax
from jax.experimental import pallas as pl
from jax.experimental.pallas import tpu as pltpu
from jax.experimental.pallas import tpu_sc as plsc

FIELD = 26
BATCH = 16384
LANES = 16
NC = 2
NS = 16
NW = NC * NS
ROWS_W = BATCH // NW
GROUPS = ROWS_W // LANES
FLAT = FIELD * ROWS_W


def _sc_body(ids_hbm, vals_hbm, w_hbm, b_hbm, out_hbm,
             idx_v, vals_v, g_v, acc_v, out_v, b_v, sems):
    c = lax.axis_index("c")
    s = lax.axis_index("s")
    wid = s * NC + c

    pltpu.sync_copy(ids_hbm.at[wid], idx_v)
    pltpu.sync_copy(vals_hbm.at[wid], vals_v)
    pltpu.sync_copy(b_hbm, b_v)
    for j in range(FIELD):
        pltpu.async_copy(
            w_hbm.at[idx_v.at[pl.ds(j * ROWS_W, ROWS_W)]],
            g_v.at[pl.ds(j * ROWS_W, ROWS_W)],
            sems.at[j])

    zero = jnp.zeros((LANES,), jnp.float32)
    for t in range(GROUPS):
        acc_v[pl.ds(t * LANES, LANES)] = zero

    def field(j, carry):
        off = j * ROWS_W
        pltpu.make_async_copy(
            w_hbm.at[idx_v.at[pl.ds(off, ROWS_W)]],
            g_v.at[pl.ds(off, ROWS_W)],
            sems.at[j]).wait()
        for t in range(GROUPS):
            w = g_v[pl.ds(off + t * LANES, LANES)]
            v = vals_v[pl.ds(off + t * LANES, LANES)]
            plsc.addupdate(acc_v.at[pl.ds(t * LANES, LANES)], w * v)
        return carry

    lax.fori_loop(0, FIELD, field, 0)

    bias = b_v[...]
    for t in range(GROUPS):
        z = acc_v[pl.ds(t * LANES, LANES)] + bias
        out_v[pl.ds(t * LANES, LANES)] = 1.0 / (1.0 + jnp.exp(-z))
    pltpu.sync_copy(out_v, out_hbm.at[pl.ds(wid * ROWS_W, ROWS_W)])


_sc_kernel = functools.partial(
    pl.kernel,
    out_type=jax.ShapeDtypeStruct((BATCH,), jnp.float32),
    mesh=plsc.VectorSubcoreMesh(core_axis_name="c", subcore_axis_name="s"),
    compiler_params=pltpu.CompilerParams(needs_layout_passes=False),
    scratch_types=[
        pltpu.VMEM((FLAT,), jnp.int32),
        pltpu.VMEM((FLAT,), jnp.float32),
        pltpu.VMEM((FLAT,), jnp.float32),
        pltpu.VMEM((ROWS_W,), jnp.float32),
        pltpu.VMEM((ROWS_W,), jnp.float32),
        pltpu.VMEM((LANES,), jnp.float32),
        pltpu.SemaphoreType.DMA((FIELD,)),
    ],
)(_sc_body)


def kernel(feat_ids, feat_vals, LR_W, LR_B):
    ids_t = feat_ids.reshape(NW, ROWS_W, FIELD).transpose(0, 2, 1).reshape(NW, FLAT)
    vals_t = feat_vals.reshape(NW, ROWS_W, FIELD).transpose(0, 2, 1).reshape(NW, FLAT)
    b16 = jnp.broadcast_to(LR_B, (LANES,))
    return _sc_kernel(ids_t, vals_t, LR_W, b16)

# --- scband reference (transcript-rebuilt; emitter-appended) ---
"""Pipeline reference for scband-lr-58574763983373 (READ-ONLY COPY).

The authoritative reference and input builder live on the scoring server;
editing this copy changes nothing except your own understanding.
"""

import jax, jax.numpy as jnp
import numpy as np

FIELD_SIZE = 26
FEATURE_SIZE = 1000000
BATCH = 16384

def setup_inputs(seed: int = 0) -> dict:
    key = jax.random.key(seed)
    k1, k2, k3, k4 = jax.random.split(key, 4)
    feat_ids = jax.random.randint(k1, (BATCH, FIELD_SIZE), 0, FEATURE_SIZE, dtype=jnp.int32)
    feat_vals = jax.random.uniform(k2, (BATCH, FIELD_SIZE), dtype=jnp.float32)
    # xavier-style init for LR_W (fan_in+fan_out = feature_size + 1)
    limit = float(np.sqrt(6.0 / (FEATURE_SIZE + 1)))
    LR_W = jax.random.uniform(k3, (FEATURE_SIZE,), minval=-limit, maxval=limit, dtype=jnp.float32)
    LR_B = jax.random.uniform(k4, (1,), minval=-1.0, maxval=1.0, dtype=jnp.float32)
    return {"feat_ids": feat_ids, "feat_vals": feat_vals, "LR_W": LR_W, "LR_B": LR_B}

def reference(feat_ids, feat_vals, LR_W, LR_B):
    # feat_wgts = embedding_lookup(LR_W, feat_ids) -> [B, F]
    feat_wgts = jnp.take(LR_W, feat_ids, axis=0)
    linear_terms = jnp.sum(feat_wgts * feat_vals, axis=1) + LR_B
    pred_prob = jax.nn.sigmoid(linear_terms)
    return pred_prob

if __name__ == "__main__":
    import jax
    _d = setup_inputs()
    print(jax.jit(kernel)(*tuple(_d.values())))

</pallas_src>

<mosaic_0001>
#map = affine_map<(d0, d1) -> (0, 0)>
#map1 = affine_map<(d0, d1) -> (0)>
module attributes {stable_mosaic.version = 14 : i64} {
  func.func @_sc_body(%arg0: i32, %arg1: i32, %arg2: memref<32x13312xi32, #tpu.memory_space<hbm>>, %arg3: memref<32x13312xf32, #tpu.memory_space<hbm>>, %arg4: memref<1000000xf32, #tpu.memory_space<hbm>>, %arg5: memref<16xf32, #tpu.memory_space<hbm>>, %arg6: memref<16384xf32, #tpu.memory_space<hbm>>, %arg7: memref<13312xi32, #tpu.memory_space<vmem>>, %arg8: memref<13312xf32, #tpu.memory_space<vmem>>, %arg9: memref<13312xf32, #tpu.memory_space<vmem>>, %arg10: memref<512xf32, #tpu.memory_space<vmem>>, %arg11: memref<512xf32, #tpu.memory_space<vmem>>, %arg12: memref<16xf32, #tpu.memory_space<vmem>>, %arg13: memref<26x!tpu.dma_semaphore, #tpu.memory_space<semaphore_mem>>) attributes {dimension_semantics = [#tpu.dimension_semantics<core_parallel>, #tpu.dimension_semantics<subcore_parallel>], iteration_bounds = array<i64: 2, 16>, scalar_prefetch = 0 : i64, scratch_operands = 7 : i64, tpu.core_type = #tpu.core_type<sc_vector_subcore>, window_params = [{transform_indices = #map}, {transform_indices = #map}, {transform_indices = #map1}, {transform_indices = #map1}, {transform_indices = #map1}]} {
    %mul3A = arith.constant 2 : i32
    %mul3A_0 = arith.muli %arg1, %mul3A : i32
    %add3A = arith.addi %mul3A_0, %arg0 : i32
    "tpu.region"() ({
      %run_scoped3A = tpu.sem_alloc : memref<!tpu.dma_semaphore, #tpu.memory_space<semaphore_mem>>
      %dma_start3A_783 = arith.constant 0 : i32
      %dma_start3A_784 = tpu.memref_slice %arg2[%add3A, %dma_start3A_783] : memref<32x13312xi32, #tpu.memory_space<hbm>> -> memref<1x13312xi32, #tpu.memory_space<hbm>>
      %dma_start3A_785 = tpu.memref_squeeze %dma_start3A_784 : memref<1x13312xi32, #tpu.memory_space<hbm>> -> memref<13312xi32, #tpu.memory_space<hbm>>
      %dma_start3A_786 = arith.constant 0 : i32
      %dma_start3A_787 = tpu.memref_slice %arg2[%add3A, %dma_start3A_786] : memref<32x13312xi32, #tpu.memory_space<hbm>> -> memref<1x13312xi32, #tpu.memory_space<hbm>>
      %dma_start3A_788 = tpu.memref_squeeze %dma_start3A_787 : memref<1x13312xi32, #tpu.memory_space<hbm>> -> memref<13312xi32, #tpu.memory_space<hbm>>
      tpu.enqueue_dma source(%dma_start3A_788 : memref<13312xi32, #tpu.memory_space<hbm>>) target(%arg7 : memref<13312xi32, #tpu.memory_space<vmem>>) target_semaphore(%run_scoped3A : memref<!tpu.dma_semaphore, #tpu.memory_space<semaphore_mem>>)
      %dma_wait3A = arith.constant 0 : i32
      %dma_wait3A_789 = tpu.memref_slice %arg2[%add3A, %dma_wait3A] : memref<32x13312xi32, #tpu.memory_space<hbm>> -> memref<1x13312xi32, #tpu.memory_space<hbm>>
      %dma_wait3A_790 = tpu.memref_squeeze %dma_wait3A_789 : memref<1x13312xi32, #tpu.memory_space<hbm>> -> memref<13312xi32, #tpu.memory_space<hbm>>
      %dma_wait3A_791 = arith.constant 0 : i32
      %dma_wait3A_792 = tpu.memref_slice %arg2[%add3A, %dma_wait3A_791] : memref<32x13312xi32, #tpu.memory_space<hbm>> -> memref<1x13312xi32, #tpu.memory_space<hbm>>
      %dma_wait3A_793 = tpu.memref_squeeze %dma_wait3A_792 : memref<1x13312xi32, #tpu.memory_space<hbm>> -> memref<13312xi32, #tpu.memory_space<hbm>>
      tpu.wait_dma2 semaphore(%run_scoped3A : memref<!tpu.dma_semaphore, #tpu.memory_space<semaphore_mem>>) src(%dma_wait3A_793 : memref<13312xi32, #tpu.memory_space<hbm>>) dst(%arg7 : memref<13312xi32, #tpu.memory_space<vmem>>)
      tpu.yield
    }) : () -> ()
    "tpu.region"() ({
      %run_scoped3A = tpu.sem_alloc : memref<!tpu.dma_semaphore, #tpu.memory_space<semaphore_mem>>
      %dma_start3A_783 = arith.constant 0 : i32
      %dma_start3A_784 = tpu.memref_slice %arg3[%add3A, %dma_start3A_783] : memref<32x13312xf32, #tpu.memory_space<hbm>> -> memref<1x13312xf32, #tpu.memory_space<hbm>>
      %dma_start3A_785 = tpu.memref_squeeze %dma_start3A_784 : memref<1x13312xf32, #tpu.memory_space<hbm>> -> memref<13312xf32, #tpu.memory_space<hbm>>
      %dma_start3A_786 = arith.constant 0 : i32
      %dma_start3A_787 = tpu.memref_slice %arg3[%add3A, %dma_start3A_786] : memref<32x13312xf32, #tpu.memory_space<hbm>> -> memref<1x13312xf32, #tpu.memory_space<hbm>>
      %dma_start3A_788 = tpu.memref_squeeze %dma_start3A_787 : memref<1x13312xf32, #tpu.memory_space<hbm>> -> memref<13312xf32, #tpu.memory_space<hbm>>
      tpu.enqueue_dma source(%dma_start3A_788 : memref<13312xf32, #tpu.memory_space<hbm>>) target(%arg8 : memref<13312xf32, #tpu.memory_space<vmem>>) target_semaphore(%run_scoped3A : memref<!tpu.dma_semaphore, #tpu.memory_space<semaphore_mem>>)
      %dma_wait3A = arith.constant 0 : i32
      %dma_wait3A_789 = tpu.memref_slice %arg3[%add3A, %dma_wait3A] : memref<32x13312xf32, #tpu.memory_space<hbm>> -> memref<1x13312xf32, #tpu.memory_space<hbm>>
      %dma_wait3A_790 = tpu.memref_squeeze %dma_wait3A_789 : memref<1x13312xf32, #tpu.memory_space<hbm>> -> memref<13312xf32, #tpu.memory_space<hbm>>
      %dma_wait3A_791 = arith.constant 0 : i32
      %dma_wait3A_792 = tpu.memref_slice %arg3[%add3A, %dma_wait3A_791] : memref<32x13312xf32, #tpu.memory_space<hbm>> -> memref<1x13312xf32, #tpu.memory_space<hbm>>
      %dma_wait3A_793 = tpu.memref_squeeze %dma_wait3A_792 : memref<1x13312xf32, #tpu.memory_space<hbm>> -> memref<13312xf32, #tpu.memory_space<hbm>>
      tpu.wait_dma2 semaphore(%run_scoped3A : memref<!tpu.dma_semaphore, #tpu.memory_space<semaphore_mem>>) src(%dma_wait3A_793 : memref<13312xf32, #tpu.memory_space<hbm>>) dst(%arg8 : memref<13312xf32, #tpu.memory_space<vmem>>)
      tpu.yield
    }) : () -> ()
    "tpu.region"() ({
      %run_scoped3A = tpu.sem_alloc : memref<!tpu.dma_semaphore, #tpu.memory_space<semaphore_mem>>
      tpu.enqueue_dma source(%arg5 : memref<16xf32, #tpu.memory_space<hbm>>) target(%arg12 : memref<16xf32, #tpu.memory_space<vmem>>) target_semaphore(%run_scoped3A : memref<!tpu.dma_semaphore, #tpu.memory_space<semaphore_mem>>)
      tpu.wait_dma2 semaphore(%run_scoped3A : memref<!tpu.dma_semaphore, #tpu.memory_space<semaphore_mem>>) src(%arg5 : memref<16xf32, #tpu.memory_space<hbm>>) dst(%arg12 : memref<16xf32, #tpu.memory_space<vmem>>)
      tpu.yield
    }) : () -> ()
    %dma_start3A = arith.constant 0 : i32
    %dma_start3A_1 = arith.constant 0 : i32
    %dma_start3A_2 = tpu.memref_slice %arg9[%dma_start3A_1] : memref<13312xf32, #tpu.memory_space<vmem>> -> memref<512xf32, #tpu.memory_space<vmem>>
    %dma_start3A_3 = arith.constant 0 : i32
    %dma_start3A_4 = tpu.memref_slice %arg7[%dma_start3A_3] : memref<13312xi32, #tpu.memory_space<vmem>> -> memref<512xi32, #tpu.memory_space<vmem>>
    %dma_start3A_5 = arith.constant 0 : i32
    %dma_start3A_6 = tpu.memref_slice %arg4[%dma_start3A_5] : memref<1000000xf32, #tpu.memory_space<hbm>> -> memref<1000000xf32, #tpu.memory_space<hbm>>
    %dma_start3A_7 = tpu.memref_slice %arg13[%dma_start3A] : memref<26x!tpu.dma_semaphore, #tpu.memory_space<semaphore_mem>> -> memref<1x!tpu.dma_semaphore, #tpu.memory_space<semaphore_mem>>
    %dma_start3A_8 = tpu.memref_squeeze %dma_start3A_7 : memref<1x!tpu.dma_semaphore, #tpu.memory_space<semaphore_mem>> -> memref<!tpu.dma_semaphore, #tpu.memory_space<semaphore_mem>>
    tpu.enqueue_indirect_dma source(%dma_start3A_6 : memref<1000000xf32, #tpu.memory_space<hbm>>) target(%dma_start3A_2 : memref<512xf32, #tpu.memory_space<vmem>>) offsets(%dma_start3A_4 : memref<512xi32, #tpu.memory_space<vmem>>) semaphore(%dma_start3A_8 : memref<!tpu.dma_semaphore, #tpu.memory_space<semaphore_mem>>)
    %dma_start3A_9 = arith.constant 1 : i32
    %dma_start3A_10 = arith.constant 512 : i32
    %dma_start3A_11 = tpu.memref_slice %arg9[%dma_start3A_10] : memref<13312xf32, #tpu.memory_space<vmem>> -> memref<512xf32, #tpu.memory_space<vmem>>
    %dma_start3A_12 = arith.constant 512 : i32
    %dma_start3A_13 = tpu.memref_slice %arg7[%dma_start3A_12] : memref<13312xi32, #tpu.memory_space<vmem>> -> memref<512xi32, #tpu.memory_space<vmem>>
    %dma_start3A_14 = arith.constant 0 : i32
    %dma_start3A_15 = tpu.memref_slice %arg4[%dma_start3A_14] : memref<1000000xf32, #tpu.memory_space<hbm>> -> memref<1000000xf32, #tpu.memory_space<hbm>>
    %dma_start3A_16 = tpu.memref_slice %arg13[%dma_start3A_9] : memref<26x!tpu.dma_semaphore, #tpu.memory_space<semaphore_mem>> -> memref<1x!tpu.dma_semaphore, #tpu.memory_space<semaphore_mem>>
    %dma_start3A_17 = tpu.memref_squeeze %dma_start3A_16 : memref<1x!tpu.dma_semaphore, #tpu.memory_space<semaphore_mem>> -> memref<!tpu.dma_semaphore, #tpu.memory_space<semaphore_mem>>
    tpu.enqueue_indirect_dma source(%dma_start3A_15 : memref<1000000xf32, #tpu.memory_space<hbm>>) target(%dma_start3A_11 : memref<512xf32, #tpu.memory_space<vmem>>) offsets(%dma_start3A_13 : memref<512xi32, #tpu.memory_space<vmem>>) semaphore(%dma_start3A_17 : memref<!tpu.dma_semaphore, #tpu.memory_space<semaphore_mem>>)
    %dma_start3A_18 = arith.constant 2 : i32
    %dma_start3A_19 = arith.constant 1024 : i32
    %dma_start3A_20 = tpu.memref_slice %arg9[%dma_start3A_19] : memref<13312xf32, #tpu.memory_space<vmem>> -> memref<512xf32, #tpu.memory_space<vmem>>
    %dma_start3A_21 = arith.constant 1024 : i32
    %dma_start3A_22 = tpu.memref_slice %arg7[%dma_start3A_21] : memref<13312xi32, #tpu.memory_space<vmem>> -> memref<512xi32, #tpu.memory_space<vmem>>
    %dma_start3A_23 = arith.constant 0 : i32
    %dma_start3A_24 = tpu.memref_slice %arg4[%dma_start3A_23] : memref<1000000xf32, #tpu.memory_space<hbm>> -> memref<1000000xf32, #tpu.memory_space<hbm>>
    %dma_start3A_25 = tpu.memref_slice %arg13[%dma_start3A_18] : memref<26x!tpu.dma_semaphore, #tpu.memory_space<semaphore_mem>> -> memref<1x!tpu.dma_semaphore, #tpu.memory_space<semaphore_mem>>
    %dma_start3A_26 = tpu.memref_squeeze %dma_start3A_25 : memref<1x!tpu.dma_semaphore, #tpu.memory_space<semaphore_mem>> -> memref<!tpu.dma_semaphore, #tpu.memory_space<semaphore_mem>>
    tpu.enqueue_indirect_dma source(%dma_start3A_24 : memref<1000000xf32, #tpu.memory_space<hbm>>) target(%dma_start3A_20 : memref<512xf32, #tpu.memory_space<vmem>>) offsets(%dma_start3A_22 : memref<512xi32, #tpu.memory_space<vmem>>) semaphore(%dma_start3A_26 : memref<!tpu.dma_semaphore, #tpu.memory_space<semaphore_mem>>)
    %dma_start3A_27 = arith.constant 3 : i32
    %dma_start3A_28 = arith.constant 1536 : i32
    %dma_start3A_29 = tpu.memref_slice %arg9[%dma_start3A_28] : memref<13312xf32, #tpu.memory_space<vmem>> -> memref<512xf32, #tpu.memory_space<vmem>>
    %dma_start3A_30 = arith.constant 1536 : i32
    %dma_start3A_31 = tpu.memref_slice %arg7[%dma_start3A_30] : memref<13312xi32, #tpu.memory_space<vmem>> -> memref<512xi32, #tpu.memory_space<vmem>>
    %dma_start3A_32 = arith.constant 0 : i32
    %dma_start3A_33 = tpu.memref_slice %arg4[%dma_start3A_32] : memref<1000000xf32, #tpu.memory_space<hbm>> -> memref<1000000xf32, #tpu.memory_space<hbm>>
    %dma_start3A_34 = tpu.memref_slice %arg13[%dma_start3A_27] : memref<26x!tpu.dma_semaphore, #tpu.memory_space<semaphore_mem>> -> memref<1x!tpu.dma_semaphore, #tpu.memory_space<semaphore_mem>>
    %dma_start3A_35 = tpu.memref_squeeze %dma_start3A_34 : memref<1x!tpu.dma_semaphore, #tpu.memory_space<semaphore_mem>> -> memref<!tpu.dma_semaphore, #tpu.memory_space<semaphore_mem>>
    tpu.enqueue_indirect_dma source(%dma_start3A_33 : memref<1000000xf32, #tpu.memory_space<hbm>>) target(%dma_start3A_29 : memref<512xf32, #tpu.memory_space<vmem>>) offsets(%dma_start3A_31 : memref<512xi32, #tpu.memory_space<vmem>>) semaphore(%dma_start3A_35 : memref<!tpu.dma_semaphore, #tpu.memory_space<semaphore_mem>>)
    %dma_start3A_36 = arith.constant 4 : i32
    %dma_start3A_37 = arith.constant 2048 : i32
    %dma_start3A_38 = tpu.memref_slice %arg9[%dma_start3A_37] : memref<13312xf32, #tpu.memory_space<vmem>> -> memref<512xf32, #tpu.memory_space<vmem>>
    %dma_start3A_39 = arith.constant 2048 : i32
    %dma_start3A_40 = tpu.memref_slice %arg7[%dma_start3A_39] : memref<13312xi32, #tpu.memory_space<vmem>> -> memref<512xi32, #tpu.memory_space<vmem>>
    %dma_start3A_41 = arith.constant 0 : i32
    %dma_start3A_42 = tpu.memref_slice %arg4[%dma_start3A_41] : memref<1000000xf32, #tpu.memory_space<hbm>> -> memref<1000000xf32, #tpu.memory_space<hbm>>
    %dma_start3A_43 = tpu.memref_slice %arg13[%dma_start3A_36] : memref<26x!tpu.dma_semaphore, #tpu.memory_space<semaphore_mem>> -> memref<1x!tpu.dma_semaphore, #tpu.memory_space<semaphore_mem>>
    %dma_start3A_44 = tpu.memref_squeeze %dma_start3A_43 : memref<1x!tpu.dma_semaphore, #tpu.memory_space<semaphore_mem>> -> memref<!tpu.dma_semaphore, #tpu.memory_space<semaphore_mem>>
    tpu.enqueue_indirect_dma source(%dma_start3A_42 : memref<1000000xf32, #tpu.memory_space<hbm>>) target(%dma_start3A_38 : memref<512xf32, #tpu.memory_space<vmem>>) offsets(%dma_start3A_40 : memref<512xi32, #tpu.memory_space<vmem>>) semaphore(%dma_start3A_44 : memref<!tpu.dma_semaphore, #tpu.memory_space<semaphore_mem>>)
    %dma_start3A_45 = arith.constant 5 : i32
    %dma_start3A_46 = arith.constant 2560 : i32
    %dma_start3A_47 = tpu.memref_slice %arg9[%dma_start3A_46] : memref<13312xf32, #tpu.memory_space<vmem>> -> memref<512xf32, #tpu.memory_space<vmem>>
    %dma_start3A_48 = arith.constant 2560 : i32
    %dma_start3A_49 = tpu.memref_slice %arg7[%dma_start3A_48] : memref<13312xi32, #tpu.memory_space<vmem>> -> memref<512xi32, #tpu.memory_space<vmem>>
    %dma_start3A_50 = arith.constant 0 : i32
    %dma_start3A_51 = tpu.memref_slice %arg4[%dma_start3A_50] : memref<1000000xf32, #tpu.memory_space<hbm>> -> memref<1000000xf32, #tpu.memory_space<hbm>>
    %dma_start3A_52 = tpu.memref_slice %arg13[%dma_start3A_45] : memref<26x!tpu.dma_semaphore, #tpu.memory_space<semaphore_mem>> -> memref<1x!tpu.dma_semaphore, #tpu.memory_space<semaphore_mem>>
    %dma_start3A_53 = tpu.memref_squeeze %dma_start3A_52 : memref<1x!tpu.dma_semaphore, #tpu.memory_space<semaphore_mem>> -> memref<!tpu.dma_semaphore, #tpu.memory_space<semaphore_mem>>
    tpu.enqueue_indirect_dma source(%dma_start3A_51 : memref<1000000xf32, #tpu.memory_space<hbm>>) target(%dma_start3A_47 : memref<512xf32, #tpu.memory_space<vmem>>) offsets(%dma_start3A_49 : memref<512xi32, #tpu.memory_space<vmem>>) semaphore(%dma_start3A_53 : memref<!tpu.dma_semaphore, #tpu.memory_space<semaphore_mem>>)
    %dma_start3A_54 = arith.constant 6 : i32
    %dma_start3A_55 = arith.constant 3072 : i32
    %dma_start3A_56 = tpu.memref_slice %arg9[%dma_start3A_55] : memref<13312xf32, #tpu.memory_space<vmem>> -> memref<512xf32, #tpu.memory_space<vmem>>
    %dma_start3A_57 = arith.constant 3072 : i32
    %dma_start3A_58 = tpu.memref_slice %arg7[%dma_start3A_57] : memref<13312xi32, #tpu.memory_space<vmem>> -> memref<512xi32, #tpu.memory_space<vmem>>
    %dma_start3A_59 = arith.constant 0 : i32
    %dma_start3A_60 = tpu.memref_slice %arg4[%dma_start3A_59] : memref<1000000xf32, #tpu.memory_space<hbm>> -> memref<1000000xf32, #tpu.memory_space<hbm>>
    %dma_start3A_61 = tpu.memref_slice %arg13[%dma_start3A_54] : memref<26x!tpu.dma_semaphore, #tpu.memory_space<semaphore_mem>> -> memref<1x!tpu.dma_semaphore, #tpu.memory_space<semaphore_mem>>
    %dma_start3A_62 = tpu.memref_squeeze %dma_start3A_61 : memref<1x!tpu.dma_semaphore, #tpu.memory_space<semaphore_mem>> -> memref<!tpu.dma_semaphore, #tpu.memory_space<semaphore_mem>>
    tpu.enqueue_indirect_dma source(%dma_start3A_60 : memref<1000000xf32, #tpu.memory_space<hbm>>) target(%dma_start3A_56 : memref<512xf32, #tpu.memory_space<vmem>>) offsets(%dma_start3A_58 : memref<512xi32, #tpu.memory_space<vmem>>) semaphore(%dma_start3A_62 : memref<!tpu.dma_semaphore, #tpu.memory_space<semaphore_mem>>)
    %dma_start3A_63 = arith.constant 7 : i32
    %dma_start3A_64 = arith.constant 3584 : i32
    %dma_start3A_65 = tpu.memref_slice %arg9[%dma_start3A_64] : memref<13312xf32, #tpu.memory_space<vmem>> -> memref<512xf32, #tpu.memory_space<vmem>>
    %dma_start3A_66 = arith.constant 3584 : i32
    %dma_start3A_67 = tpu.memref_slice %arg7[%dma_start3A_66] : memref<13312xi32, #tpu.memory_space<vmem>> -> memref<512xi32, #tpu.memory_space<vmem>>
    %dma_start3A_68 = arith.constant 0 : i32
    %dma_start3A_69 = tpu.memref_slice %arg4[%dma_start3A_68] : memref<1000000xf32, #tpu.memory_space<hbm>> -> memref<1000000xf32, #tpu.memory_space<hbm>>
    %dma_start3A_70 = tpu.memref_slice %arg13[%dma_start3A_63] : memref<26x!tpu.dma_semaphore, #tpu.memory_space<semaphore_mem>> -> memref<1x!tpu.dma_semaphore, #tpu.memory_space<semaphore_mem>>
    %dma_start3A_71 = tpu.memref_squeeze %dma_start3A_70 : memref<1x!tpu.dma_semaphore, #tpu.memory_space<semaphore_mem>> -> memref<!tpu.dma_semaphore, #tpu.memory_space<semaphore_mem>>
    tpu.enqueue_indirect_dma source(%dma_start3A_69 : memref<1000000xf32, #tpu.memory_space<hbm>>) target(%dma_start3A_65 : memref<512xf32, #tpu.memory_space<vmem>>) offsets(%dma_start3A_67 : memref<512xi32, #tpu.memory_space<vmem>>) semaphore(%dma_start3A_71 : memref<!tpu.dma_semaphore, #tpu.memory_space<semaphore_mem>>)
    %dma_start3A_72 = arith.constant 8 : i32
    %dma_start3A_73 = arith.constant 4096 : i32
    %dma_start3A_74 = tpu.memref_slice %arg9[%dma_start3A_73] : memref<13312xf32, #tpu.memory_space<vmem>> -> memref<512xf32, #tpu.memory_space<vmem>>
    %dma_start3A_75 = arith.constant 4096 : i32
    %dma_start3A_76 = tpu.memref_slice %arg7[%dma_start3A_75] : memref<13312xi32, #tpu.memory_space<vmem>> -> memref<512xi32, #tpu.memory_space<vmem>>
    %dma_start3A_77 = arith.constant 0 : i32
    %dma_start3A_78 = tpu.memref_slice %arg4[%dma_start3A_77] : memref<1000000xf32, #tpu.memory_space<hbm>> -> memref<1000000xf32, #tpu.memory_space<hbm>>
    %dma_start3A_79 = tpu.memref_slice %arg13[%dma_start3A_72] : memref<26x!tpu.dma_semaphore, #tpu.memory_space<semaphore_mem>> -> memref<1x!tpu.dma_semaphore, #tpu.memory_space<semaphore_mem>>
    %dma_start3A_80 = tpu.memref_squeeze %dma_start3A_79 : memref<1x!tpu.dma_semaphore, #tpu.memory_space<semaphore_mem>> -> memref<!tpu.dma_semaphore, #tpu.memory_space<semaphore_mem>>
    tpu.enqueue_indirect_dma source(%dma_start3A_78 : memref<1000000xf32, #tpu.memory_space<hbm>>) target(%dma_start3A_74 : memref<512xf32, #tpu.memory_space<vmem>>) offsets(%dma_start3A_76 : memref<512xi32, #tpu.memory_space<vmem>>) semaphore(%dma_start3A_80 : memref<!tpu.dma_semaphore, #tpu.memory_space<semaphore_mem>>)
    %dma_start3A_81 = arith.constant 9 : i32
    %dma_start3A_82 = arith.constant 4608 : i32
    %dma_start3A_83 = tpu.memref_slice %arg9[%dma_start3A_82] : memref<13312xf32, #tpu.memory_space<vmem>> -> memref<512xf32, #tpu.memory_space<vmem>>
    %dma_start3A_84 = arith.constant 4608 : i32
    %dma_start3A_85 = tpu.memref_slice %arg7[%dma_start3A_84] : memref<13312xi32, #tpu.memory_space<vmem>> -> memref<512xi32, #tpu.memory_space<vmem>>
    %dma_start3A_86 = arith.constant 0 : i32
    %dma_start3A_87 = tpu.memref_slice %arg4[%dma_start3A_86] : memref<1000000xf32, #tpu.memory_space<hbm>> -> memref<1000000xf32, #tpu.memory_space<hbm>>
    %dma_start3A_88 = tpu.memref_slice %arg13[%dma_start3A_81] : memref<26x!tpu.dma_semaphore, #tpu.memory_space<semaphore_mem>> -> memref<1x!tpu.dma_semaphore, #tpu.memory_space<semaphore_mem>>
    %dma_start3A_89 = tpu.memref_squeeze %dma_start3A_88 : memref<1x!tpu.dma_semaphore, #tpu.memory_space<semaphore_mem>> -> memref<!tpu.dma_semaphore, #tpu.memory_space<semaphore_mem>>
    tpu.enqueue_indirect_dma source(%dma_start3A_87 : memref<1000000xf32, #tpu.memory_space<hbm>>) target(%dma_start3A_83 : memref<512xf32, #tpu.memory_space<vmem>>) offsets(%dma_start3A_85 : memref<512xi32, #tpu.memory_space<vmem>>) semaphore(%dma_start3A_89 : memref<!tpu.dma_semaphore, #tpu.memory_space<semaphore_mem>>)
    %dma_start3A_90 = arith.constant 10 : i32
    %dma_start3A_91 = arith.constant 5120 : i32
    %dma_start3A_92 = tpu.memref_slice %arg9[%dma_start3A_91] : memref<13312xf32, #tpu.memory_space<vmem>> -> memref<512xf32, #tpu.memory_space<vmem>>
    %dma_start3A_93 = arith.constant 5120 : i32
    %dma_start3A_94 = tpu.memref_slice %arg7[%dma_start3A_93] : memref<13312xi32, #tpu.memory_space<vmem>> -> memref<512xi32, #tpu.memory_space<vmem>>
    %dma_start3A_95 = arith.constant 0 : i32
    %dma_start3A_96 = tpu.memref_slice %arg4[%dma_start3A_95] : memref<1000000xf32, #tpu.memory_space<hbm>> -> memref<1000000xf32, #tpu.memory_space<hbm>>
    %dma_start3A_97 = tpu.memref_slice %arg13[%dma_start3A_90] : memref<26x!tpu.dma_semaphore, #tpu.memory_space<semaphore_mem>> -> memref<1x!tpu.dma_semaphore, #tpu.memory_space<semaphore_mem>>
    %dma_start3A_98 = tpu.memref_squeeze %dma_start3A_97 : memref<1x!tpu.dma_semaphore, #tpu.memory_space<semaphore_mem>> -> memref<!tpu.dma_semaphore, #tpu.memory_space<semaphore_mem>>
    tpu.enqueue_indirect_dma source(%dma_start3A_96 : memref<1000000xf32, #tpu.memory_space<hbm>>) target(%dma_start3A_92 : memref<512xf32, #tpu.memory_space<vmem>>) offsets(%dma_start3A_94 : memref<512xi32, #tpu.memory_space<vmem>>) semaphore(%dma_start3A_98 : memref<!tpu.dma_semaphore, #tpu.memory_space<semaphore_mem>>)
    %dma_start3A_99 = arith.constant 11 : i32
    %dma_start3A_100 = arith.constant 5632 : i32
    %dma_start3A_101 = tpu.memref_slice %arg9[%dma_start3A_100] : memref<13312xf32, #tpu.memory_space<vmem>> -> memref<512xf32, #tpu.memory_space<vmem>>
    %dma_start3A_102 = arith.constant 5632 : i32
    %dma_start3A_103 = tpu.memref_slice %arg7[%dma_start3A_102] : memref<13312xi32, #tpu.memory_space<vmem>> -> memref<512xi32, #tpu.memory_space<vmem>>
    %dma_start3A_104 = arith.constant 0 : i32
    %dma_start3A_105 = tpu.memref_slice %arg4[%dma_start3A_104] : memref<1000000xf32, #tpu.memory_space<hbm>> -> memref<1000000xf32, #tpu.memory_space<hbm>>
    %dma_start3A_106 = tpu.memref_slice %arg13[%dma_start3A_99] : memref<26x!tpu.dma_semaphore, #tpu.memory_space<semaphore_mem>> -> memref<1x!tpu.dma_semaphore, #tpu.memory_space<semaphore_mem>>
    %dma_start3A_107 = tpu.memref_squeeze %dma_start3A_106 : memref<1x!tpu.dma_semaphore, #tpu.memory_space<semaphore_mem>> -> memref<!tpu.dma_semaphore, #tpu.memory_space<semaphore_mem>>
    tpu.enqueue_indirect_dma source(%dma_start3A_105 : memref<1000000xf32, #tpu.memory_space<hbm>>) target(%dma_start3A_101 : memref<512xf32, #tpu.memory_space<vmem>>) offsets(%dma_start3A_103 : memref<512xi32, #tpu.memory_space<vmem>>) semaphore(%dma_start3A_107 : memref<!tpu.dma_semaphore, #tpu.memory_space<semaphore_mem>>)
    %dma_start3A_108 = arith.constant 12 : i32
    %dma_start3A_109 = arith.constant 6144 : i32
    %dma_start3A_110 = tpu.memref_slice %arg9[%dma_start3A_109] : memref<13312xf32, #tpu.memory_space<vmem>> -> memref<512xf32, #tpu.memory_space<vmem>>
    %dma_start3A_111 = arith.constant 6144 : i32
    %dma_start3A_112 = tpu.memref_slice %arg7[%dma_start3A_111] : memref<13312xi32, #tpu.memory_space<vmem>> -> memref<512xi32, #tpu.memory_space<vmem>>
    %dma_start3A_113 = arith.constant 0 : i32
    %dma_start3A_114 = tpu.memref_slice %arg4[%dma_start3A_113] : memref<1000000xf32, #tpu.memory_space<hbm>> -> memref<1000000xf32, #tpu.memory_space<hbm>>
    %dma_start3A_115 = tpu.memref_slice %arg13[%dma_start3A_108] : memref<26x!tpu.dma_semaphore, #tpu.memory_space<semaphore_mem>> -> memref<1x!tpu.dma_semaphore, #tpu.memory_space<semaphore_mem>>
    %dma_start3A_116 = tpu.memref_squeeze %dma_start3A_115 : memref<1x!tpu.dma_semaphore, #tpu.memory_space<semaphore_mem>> -> memref<!tpu.dma_semaphore, #tpu.memory_space<semaphore_mem>>
    tpu.enqueue_indirect_dma source(%dma_start3A_114 : memref<1000000xf32, #tpu.memory_space<hbm>>) target(%dma_start3A_110 : memref<512xf32, #tpu.memory_space<vmem>>) offsets(%dma_start3A_112 : memref<512xi32, #tpu.memory_space<vmem>>) semaphore(%dma_start3A_116 : memref<!tpu.dma_semaphore, #tpu.memory_space<semaphore_mem>>)
    %dma_start3A_117 = arith.constant 13 : i32
    %dma_start3A_118 = arith.constant 6656 : i32
    %dma_start3A_119 = tpu.memref_slice %arg9[%dma_start3A_118] : memref<13312xf32, #tpu.memory_space<vmem>> -> memref<512xf32, #tpu.memory_space<vmem>>
    %dma_start3A_120 = arith.constant 6656 : i32
    %dma_start3A_121 = tpu.memref_slice %arg7[%dma_start3A_120] : memref<13312xi32, #tpu.memory_space<vmem>> -> memref<512xi32, #tpu.memory_space<vmem>>
    %dma_start3A_122 = arith.constant 0 : i32
    %dma_start3A_123 = tpu.memref_slice %arg4[%dma_start3A_122] : memref<1000000xf32, #tpu.memory_space<hbm>> -> memref<1000000xf32, #tpu.memory_space<hbm>>
    %dma_start3A_124 = tpu.memref_slice %arg13[%dma_start3A_117] : memref<26x!tpu.dma_semaphore, #tpu.memory_space<semaphore_mem>> -> memref<1x!tpu.dma_semaphore, #tpu.memory_space<semaphore_mem>>
    %dma_start3A_125 = tpu.memref_squeeze %dma_start3A_124 : memref<1x!tpu.dma_semaphore, #tpu.memory_space<semaphore_mem>> -> memref<!tpu.dma_semaphore, #tpu.memory_space<semaphore_mem>>
    tpu.enqueue_indirect_dma source(%dma_start3A_123 : memref<1000000xf32, #tpu.memory_space<hbm>>) target(%dma_start3A_119 : memref<512xf32, #tpu.memory_space<vmem>>) offsets(%dma_start3A_121 : memref<512xi32, #tpu.memory_space<vmem>>) semaphore(%dma_start3A_125 : memref<!tpu.dma_semaphore, #tpu.memory_space<semaphore_mem>>)
    %dma_start3A_126 = arith.constant 14 : i32
    %dma_start3A_127 = arith.constant 7168 : i32
    %dma_start3A_128 = tpu.memref_slice %arg9[%dma_start3A_127] : memref<13312xf32, #tpu.memory_space<vmem>> -> memref<512xf32, #tpu.memory_space<vmem>>
    %dma_start3A_129 = arith.constant 7168 : i32
    %dma_start3A_130 = tpu.memref_slice %arg7[%dma_start3A_129] : memref<13312xi32, #tpu.memory_space<vmem>> -> memref<512xi32, #tpu.memory_space<vmem>>
    %dma_start3A_131 = arith.constant 0 : i32
    %dma_start3A_132 = tpu.memref_slice %arg4[%dma_start3A_131] : memref<1000000xf32, #tpu.memory_space<hbm>> -> memref<1000000xf32, #tpu.memory_space<hbm>>
    %dma_start3A_133 = tpu.memref_slice %arg13[%dma_start3A_126] : memref<26x!tpu.dma_semaphore, #tpu.memory_space<semaphore_mem>> -> memref<1x!tpu.dma_semaphore, #tpu.memory_space<semaphore_mem>>
    %dma_start3A_134 = tpu.memref_squeeze %dma_start3A_133 : memref<1x!tpu.dma_semaphore, #tpu.memory_space<semaphore_mem>> -> memref<!tpu.dma_semaphore, #tpu.memory_space<semaphore_mem>>
    tpu.enqueue_indirect_dma source(%dma_start3A_132 : memref<1000000xf32, #tpu.memory_space<hbm>>) target(%dma_start3A_128 : memref<512xf32, #tpu.memory_space<vmem>>) offsets(%dma_start3A_130 : memref<512xi32, #tpu.memory_space<vmem>>) semaphore(%dma_start3A_134 : memref<!tpu.dma_semaphore, #tpu.memory_space<semaphore_mem>>)
    %dma_start3A_135 = arith.constant 15 : i32
    %dma_start3A_136 = arith.constant 7680 : i32
    %dma_start3A_137 = tpu.memref_slice %arg9[%dma_start3A_136] : memref<13312xf32, #tpu.memory_space<vmem>> -> memref<512xf32, #tpu.memory_space<vmem>>
    %dma_start3A_138 = arith.constant 7680 : i32
    %dma_start3A_139 = tpu.memref_slice %arg7[%dma_start3A_138] : memref<13312xi32, #tpu.memory_space<vmem>> -> memref<512xi32, #tpu.memory_space<vmem>>
    %dma_start3A_140 = arith.constant 0 : i32
    %dma_start3A_141 = tpu.memref_slice %arg4[%dma_start3A_140] : memref<1000000xf32, #tpu.memory_space<hbm>> -> memref<1000000xf32, #tpu.memory_space<hbm>>
    %dma_start3A_142 = tpu.memref_slice %arg13[%dma_start3A_135] : memref<26x!tpu.dma_semaphore, #tpu.memory_space<semaphore_mem>> -> memref<1x!tpu.dma_semaphore, #tpu.memory_space<semaphore_mem>>
    %dma_start3A_143 = tpu.memref_squeeze %dma_start3A_142 : memref<1x!tpu.dma_semaphore, #tpu.memory_space<semaphore_mem>> -> memref<!tpu.dma_semaphore, #tpu.memory_space<semaphore_mem>>
    tpu.enqueue_indirect_dma source(%dma_start3A_141 : memref<1000000xf32, #tpu.memory_space<hbm>>) target(%dma_start3A_137 : memref<512xf32, #tpu.memory_space<vmem>>) offsets(%dma_start3A_139 : memref<512xi32, #tpu.memory_space<vmem>>) semaphore(%dma_start3A_143 : memref<!tpu.dma_semaphore, #tpu.memory_space<semaphore_mem>>)
    %dma_start3A_144 = arith.constant 16 : i32
    %dma_start3A_145 = arith.constant 8192 : i32
    %dma_start3A_146 = tpu.memref_slice %arg9[%dma_start3A_145] : memref<13312xf32, #tpu.memory_space<vmem>> -> memref<512xf32, #tpu.memory_space<vmem>>
    %dma_start3A_147 = arith.constant 8192 : i32
    %dma_start3A_148 = tpu.memref_slice %arg7[%dma_start3A_147] : memref<13312xi32, #tpu.memory_space<vmem>> -> memref<512xi32, #tpu.memory_space<vmem>>
    %dma_start3A_149 = arith.constant 0 : i32
    %dma_start3A_150 = tpu.memref_slice %arg4[%dma_start3A_149] : memref<1000000xf32, #tpu.memory_space<hbm>> -> memref<1000000xf32, #tpu.memory_space<hbm>>
    %dma_start3A_151 = tpu.memref_slice %arg13[%dma_start3A_144] : memref<26x!tpu.dma_semaphore, #tpu.memory_space<semaphore_mem>> -> memref<1x!tpu.dma_semaphore, #tpu.memory_space<semaphore_mem>>
    %dma_start3A_152 = tpu.memref_squeeze %dma_start3A_151 : memref<1x!tpu.dma_semaphore, #tpu.memory_space<semaphore_mem>> -> memref<!tpu.dma_semaphore, #tpu.memory_space<semaphore_mem>>
    tpu.enqueue_indirect_dma source(%dma_start3A_150 : memref<1000000xf32, #tpu.memory_space<hbm>>) target(%dma_start3A_146 : memref<512xf32, #tpu.memory_space<vmem>>) offsets(%dma_start3A_148 : memref<512xi32, #tpu.memory_space<vmem>>) semaphore(%dma_start3A_152 : memref<!tpu.dma_semaphore, #tpu.memory_space<semaphore_mem>>)
    %dma_start3A_153 = arith.constant 17 : i32
    %dma_start3A_154 = arith.constant 8704 : i32
    %dma_start3A_155 = tpu.memref_slice %arg9[%dma_start3A_154] : memref<13312xf32, #tpu.memory_space<vmem>> -> memref<512xf32, #tpu.memory_space<vmem>>
    %dma_start3A_156 = arith.constant 8704 : i32
    %dma_start3A_157 = tpu.memref_slice %arg7[%dma_start3A_156] : memref<13312xi32, #tpu.memory_space<vmem>> -> memref<512xi32, #tpu.memory_space<vmem>>
    %dma_start3A_158 = arith.constant 0 : i32
    %dma_start3A_159 = tpu.memref_slice %arg4[%dma_start3A_158] : memref<1000000xf32, #tpu.memory_space<hbm>> -> memref<1000000xf32, #tpu.memory_space<hbm>>
    %dma_start3A_160 = tpu.memref_slice %arg13[%dma_start3A_153] : memref<26x!tpu.dma_semaphore, #tpu.memory_space<semaphore_mem>> -> memref<1x!tpu.dma_semaphore, #tpu.memory_space<semaphore_mem>>
    %dma_start3A_161 = tpu.memref_squeeze %dma_start3A_160 : memref<1x!tpu.dma_semaphore, #tpu.memory_space<semaphore_mem>> -> memref<!tpu.dma_semaphore, #tpu.memory_space<semaphore_mem>>
    tpu.enqueue_indirect_dma source(%dma_start3A_159 : memref<1000000xf32, #tpu.memory_space<hbm>>) target(%dma_start3A_155 : memref<512xf32, #tpu.memory_space<vmem>>) offsets(%dma_start3A_157 : memref<512xi32, #tpu.memory_space<vmem>>) semaphore(%dma_start3A_161 : memref<!tpu.dma_semaphore, #tpu.memory_space<semaphore_mem>>)
    %dma_start3A_162 = arith.constant 18 : i32
    %dma_start3A_163 = arith.constant 9216 : i32
    %dma_start3A_164 = tpu.memref_slice %arg9[%dma_start3A_163] : memref<13312xf32, #tpu.memory_space<vmem>> -> memref<512xf32, #tpu.memory_space<vmem>>
    %dma_start3A_165 = arith.constant 9216 : i32
    %dma_start3A_166 = tpu.memref_slice %arg7[%dma_start3A_165] : memref<13312xi32, #tpu.memory_space<vmem>> -> memref<512xi32, #tpu.memory_space<vmem>>
    %dma_start3A_167 = arith.constant 0 : i32
    %dma_start3A_168 = tpu.memref_slice %arg4[%dma_start3A_167] : memref<1000000xf32, #tpu.memory_space<hbm>> -> memref<1000000xf32, #tpu.memory_space<hbm>>
    %dma_start3A_169 = tpu.memref_slice %arg13[%dma_start3A_162] : memref<26x!tpu.dma_semaphore, #tpu.memory_space<semaphore_mem>> -> memref<1x!tpu.dma_semaphore, #tpu.memory_space<semaphore_mem>>
    %dma_start3A_170 = tpu.memref_squeeze %dma_start3A_169 : memref<1x!tpu.dma_semaphore, #tpu.memory_space<semaphore_mem>> -> memref<!tpu.dma_semaphore, #tpu.memory_space<semaphore_mem>>
    tpu.enqueue_indirect_dma source(%dma_start3A_168 : memref<1000000xf32, #tpu.memory_space<hbm>>) target(%dma_start3A_164 : memref<512xf32, #tpu.memory_space<vmem>>) offsets(%dma_start3A_166 : memref<512xi32, #tpu.memory_space<vmem>>) semaphore(%dma_start3A_170 : memref<!tpu.dma_semaphore, #tpu.memory_space<semaphore_mem>>)
    %dma_start3A_171 = arith.constant 19 : i32
    %dma_start3A_172 = arith.constant 9728 : i32
    %dma_start3A_173 = tpu.memref_slice %arg9[%dma_start3A_172] : memref<13312xf32, #tpu.memory_space<vmem>> -> memref<512xf32, #tpu.memory_space<vmem>>
    %dma_start3A_174 = arith.constant 9728 : i32
    %dma_start3A_175 = tpu.memref_slice %arg7[%dma_start3A_174] : memref<13312xi32, #tpu.memory_space<vmem>> -> memref<512xi32, #tpu.memory_space<vmem>>
    %dma_start3A_176 = arith.constant 0 : i32
    %dma_start3A_177 = tpu.memref_slice %arg4[%dma_start3A_176] : memref<1000000xf32, #tpu.memory_space<hbm>> -> memref<1000000xf32, #tpu.memory_space<hbm>>
    %dma_start3A_178 = tpu.memref_slice %arg13[%dma_start3A_171] : memref<26x!tpu.dma_semaphore, #tpu.memory_space<semaphore_mem>> -> memref<1x!tpu.dma_semaphore, #tpu.memory_space<semaphore_mem>>
    %dma_start3A_179 = tpu.memref_squeeze %dma_start3A_178 : memref<1x!tpu.dma_semaphore, #tpu.memory_space<semaphore_mem>> -> memref<!tpu.dma_semaphore, #tpu.memory_space<semaphore_mem>>
    tpu.enqueue_indirect_dma source(%dma_start3A_177 : memref<1000000xf32, #tpu.memory_space<hbm>>) target(%dma_start3A_173 : memref<512xf32, #tpu.memory_space<vmem>>) offsets(%dma_start3A_175 : memref<512xi32, #tpu.memory_space<vmem>>) semaphore(%dma_start3A_179 : memref<!tpu.dma_semaphore, #tpu.memory_space<semaphore_mem>>)
    %dma_start3A_180 = arith.constant 20 : i32
    %dma_start3A_181 = arith.constant 10240 : i32
    %dma_start3A_182 = tpu.memref_slice %arg9[%dma_start3A_181] : memref<13312xf32, #tpu.memory_space<vmem>> -> memref<512xf32, #tpu.memory_space<vmem>>
    %dma_start3A_183 = arith.constant 10240 : i32
    %dma_start3A_184 = tpu.memref_slice %arg7[%dma_start3A_183] : memref<13312xi32, #tpu.memory_space<vmem>> -> memref<512xi32, #tpu.memory_space<vmem>>
    %dma_start3A_185 = arith.constant 0 : i32
    %dma_start3A_186 = tpu.memref_slice %arg4[%dma_start3A_185] : memref<1000000xf32, #tpu.memory_space<hbm>> -> memref<1000000xf32, #tpu.memory_space<hbm>>
    %dma_start3A_187 = tpu.memref_slice %arg13[%dma_start3A_180] : memref<26x!tpu.dma_semaphore, #tpu.memory_space<semaphore_mem>> -> memref<1x!tpu.dma_semaphore, #tpu.memory_space<semaphore_mem>>
    %dma_start3A_188 = tpu.memref_squeeze %dma_start3A_187 : memref<1x!tpu.dma_semaphore, #tpu.memory_space<semaphore_mem>> -> memref<!tpu.dma_semaphore, #tpu.memory_space<semaphore_mem>>
    tpu.enqueue_indirect_dma source(%dma_start3A_186 : memref<1000000xf32, #tpu.memory_space<hbm>>) target(%dma_start3A_182 : memref<512xf32, #tpu.memory_space<vmem>>) offsets(%dma_start3A_184 : memref<512xi32, #tpu.memory_space<vmem>>) semaphore(%dma_start3A_188 : memref<!tpu.dma_semaphore, #tpu.memory_space<semaphore_mem>>)
    %dma_start3A_189 = arith.constant 21 : i32
    %dma_start3A_190 = arith.constant 10752 : i32
    %dma_start3A_191 = tpu.memref_slice %arg9[%dma_start3A_190] : memref<13312xf32, #tpu.memory_space<vmem>> -> memref<512xf32, #tpu.memory_space<vmem>>
    %dma_start3A_192 = arith.constant 10752 : i32
    %dma_start3A_193 = tpu.memref_slice %arg7[%dma_start3A_192] : memref<13312xi32, #tpu.memory_space<vmem>> -> memref<512xi32, #tpu.memory_space<vmem>>
    %dma_start3A_194 = arith.constant 0 : i32
    %dma_start3A_195 = tpu.memref_slice %arg4[%dma_start3A_194] : memref<1000000xf32, #tpu.memory_space<hbm>> -> memref<1000000xf32, #tpu.memory_space<hbm>>
    %dma_start3A_196 = tpu.memref_slice %arg13[%dma_start3A_189] : memref<26x!tpu.dma_semaphore, #tpu.memory_space<semaphore_mem>> -> memref<1x!tpu.dma_semaphore, #tpu.memory_space<semaphore_mem>>
    %dma_start3A_197 = tpu.memref_squeeze %dma_start3A_196 : memref<1x!tpu.dma_semaphore, #tpu.memory_space<semaphore_mem>> -> memref<!tpu.dma_semaphore, #tpu.memory_space<semaphore_mem>>
    tpu.enqueue_indirect_dma source(%dma_start3A_195 : memref<1000000xf32, #tpu.memory_space<hbm>>) target(%dma_start3A_191 : memref<512xf32, #tpu.memory_space<vmem>>) offsets(%dma_start3A_193 : memref<512xi32, #tpu.memory_space<vmem>>) semaphore(%dma_start3A_197 : memref<!tpu.dma_semaphore, #tpu.memory_space<semaphore_mem>>)
    %dma_start3A_198 = arith.constant 22 : i32
    %dma_start3A_199 = arith.constant 11264 : i32
    %dma_start3A_200 = tpu.memref_slice %arg9[%dma_start3A_199] : memref<13312xf32, #tpu.memory_space<vmem>> -> memref<512xf32, #tpu.memory_space<vmem>>
    %dma_start3A_201 = arith.constant 11264 : i32
    %dma_start3A_202 = tpu.memref_slice %arg7[%dma_start3A_201] : memref<13312xi32, #tpu.memory_space<vmem>> -> memref<512xi32, #tpu.memory_space<vmem>>
    %dma_start3A_203 = arith.constant 0 : i32
    %dma_start3A_204 = tpu.memref_slice %arg4[%dma_start3A_203] : memref<1000000xf32, #tpu.memory_space<hbm>> -> memref<1000000xf32, #tpu.memory_space<hbm>>
    %dma_start3A_205 = tpu.memref_slice %arg13[%dma_start3A_198] : memref<26x!tpu.dma_semaphore, #tpu.memory_space<semaphore_mem>> -> memref<1x!tpu.dma_semaphore, #tpu.memory_space<semaphore_mem>>
    %dma_start3A_206 = tpu.memref_squeeze %dma_start3A_205 : memref<1x!tpu.dma_semaphore, #tpu.memory_space<semaphore_mem>> -> memref<!tpu.dma_semaphore, #tpu.memory_space<semaphore_mem>>
    tpu.enqueue_indirect_dma source(%dma_start3A_204 : memref<1000000xf32, #tpu.memory_space<hbm>>) target(%dma_start3A_200 : memref<512xf32, #tpu.memory_space<vmem>>) offsets(%dma_start3A_202 : memref<512xi32, #tpu.memory_space<vmem>>) semaphore(%dma_start3A_206 : memref<!tpu.dma_semaphore, #tpu.memory_space<semaphore_mem>>)
    %dma_start3A_207 = arith.constant 23 : i32
    %dma_start3A_208 = arith.constant 11776 : i32
    %dma_start3A_209 = tpu.memref_slice %arg9[%dma_start3A_208] : memref<13312xf32, #tpu.memory_space<vmem>> -> memref<512xf32, #tpu.memory_space<vmem>>
    %dma_start3A_210 = arith.constant 11776 : i32
    %dma_start3A_211 = tpu.memref_slice %arg7[%dma_start3A_210] : memref<13312xi32, #tpu.memory_space<vmem>> -> memref<512xi32, #tpu.memory_space<vmem>>
    %dma_start3A_212 = arith.constant 0 : i32
    %dma_start3A_213 = tpu.memref_slice %arg4[%dma_start3A_212] : memref<1000000xf32, #tpu.memory_space<hbm>> -> memref<1000000xf32, #tpu.memory_space<hbm>>
    %dma_start3A_214 = tpu.memref_slice %arg13[%dma_start3A_207] : memref<26x!tpu.dma_semaphore, #tpu.memory_space<semaphore_mem>> -> memref<1x!tpu.dma_semaphore, #tpu.memory_space<semaphore_mem>>
    %dma_start3A_215 = tpu.memref_squeeze %dma_start3A_214 : memref<1x!tpu.dma_semaphore, #tpu.memory_space<semaphore_mem>> -> memref<!tpu.dma_semaphore, #tpu.memory_space<semaphore_mem>>
    tpu.enqueue_indirect_dma source(%dma_start3A_213 : memref<1000000xf32, #tpu.memory_space<hbm>>) target(%dma_start3A_209 : memref<512xf32, #tpu.memory_space<vmem>>) offsets(%dma_start3A_211 : memref<512xi32, #tpu.memory_space<vmem>>) semaphore(%dma_start3A_215 : memref<!tpu.dma_semaphore, #tpu.memory_space<semaphore_mem>>)
    %dma_start3A_216 = arith.constant 24 : i32
    %dma_start3A_217 = arith.constant 12288 : i32
    %dma_start3A_218 = tpu.memref_slice %arg9[%dma_start3A_217] : memref<13312xf32, #tpu.memory_space<vmem>> -> memref<512xf32, #tpu.memory_space<vmem>>
    %dma_start3A_219 = arith.constant 12288 : i32
    %dma_start3A_220 = tpu.memref_slice %arg7[%dma_start3A_219] : memref<13312xi32, #tpu.memory_space<vmem>> -> memref<512xi32, #tpu.memory_space<vmem>>
    %dma_start3A_221 = arith.constant 0 : i32
    %dma_start3A_222 = tpu.memref_slice %arg4[%dma_start3A_221] : memref<1000000xf32, #tpu.memory_space<hbm>> -> memref<1000000xf32, #tpu.memory_space<hbm>>
    %dma_start3A_223 = tpu.memref_slice %arg13[%dma_start3A_216] : memref<26x!tpu.dma_semaphore, #tpu.memory_space<semaphore_mem>> -> memref<1x!tpu.dma_semaphore, #tpu.memory_space<semaphore_mem>>
    %dma_start3A_224 = tpu.memref_squeeze %dma_start3A_223 : memref<1x!tpu.dma_semaphore, #tpu.memory_space<semaphore_mem>> -> memref<!tpu.dma_semaphore, #tpu.memory_space<semaphore_mem>>
    tpu.enqueue_indirect_dma source(%dma_start3A_222 : memref<1000000xf32, #tpu.memory_space<hbm>>) target(%dma_start3A_218 : memref<512xf32, #tpu.memory_space<vmem>>) offsets(%dma_start3A_220 : memref<512xi32, #tpu.memory_space<vmem>>) semaphore(%dma_start3A_224 : memref<!tpu.dma_semaphore, #tpu.memory_space<semaphore_mem>>)
    %dma_start3A_225 = arith.constant 25 : i32
    %dma_start3A_226 = arith.constant 12800 : i32
    %dma_start3A_227 = tpu.memref_slice %arg9[%dma_start3A_226] : memref<13312xf32, #tpu.memory_space<vmem>> -> memref<512xf32, #tpu.memory_space<vmem>>
    %dma_start3A_228 = arith.constant 12800 : i32
    %dma_start3A_229 = tpu.memref_slice %arg7[%dma_start3A_228] : memref<13312xi32, #tpu.memory_space<vmem>> -> memref<512xi32, #tpu.memory_space<vmem>>
    %dma_start3A_230 = arith.constant 0 : i32
    %dma_start3A_231 = tpu.memref_slice %arg4[%dma_start3A_230] : memref<1000000xf32, #tpu.memory_space<hbm>> -> memref<1000000xf32, #tpu.memory_space<hbm>>
    %dma_start3A_232 = tpu.memref_slice %arg13[%dma_start3A_225] : memref<26x!tpu.dma_semaphore, #tpu.memory_space<semaphore_mem>> -> memref<1x!tpu.dma_semaphore, #tpu.memory_space<semaphore_mem>>
    %dma_start3A_233 = tpu.memref_squeeze %dma_start3A_232 : memref<1x!tpu.dma_semaphore, #tpu.memory_space<semaphore_mem>> -> memref<!tpu.dma_semaphore, #tpu.memory_space<semaphore_mem>>
    tpu.enqueue_indirect_dma source(%dma_start3A_231 : memref<1000000xf32, #tpu.memory_space<hbm>>) target(%dma_start3A_227 : memref<512xf32, #tpu.memory_space<vmem>>) offsets(%dma_start3A_229 : memref<512xi32, #tpu.memory_space<vmem>>) semaphore(%dma_start3A_233 : memref<!tpu.dma_semaphore, #tpu.memory_space<semaphore_mem>>)
    %broadcast_in_dim3A = arith.constant 0.000000e+00 : f32
    %broadcast_in_dim3A_234 = vector.broadcast %broadcast_in_dim3A : f32 to vector<16xf32>
    %swap3A = arith.constant 0 : index
    %swap3A_235 = tpu.vector_load %arg10[%swap3A] {strides = array<i32>} : memref<512xf32, #tpu.memory_space<vmem>>, vector<16xf32>,
    tpu.vector_store %arg10[%swap3A], %broadcast_in_dim3A_234 {strides = array<i32>} : memref<512xf32, #tpu.memory_space<vmem>>, vector<16xf32>,
    %swap3A_236 = arith.constant 16 : index
    %swap3A_237 = tpu.vector_load %arg10[%swap3A_236] {strides = array<i32>} : memref<512xf32, #tpu.memory_space<vmem>>, vector<16xf32>,
    tpu.vector_store %arg10[%swap3A_236], %broadcast_in_dim3A_234 {strides = array<i32>} : memref<512xf32, #tpu.memory_space<vmem>>, vector<16xf32>,
    %swap3A_238 = arith.constant 32 : index
    %swap3A_239 = tpu.vector_load %arg10[%swap3A_238] {strides = array<i32>} : memref<512xf32, #tpu.memory_space<vmem>>, vector<16xf32>,
    tpu.vector_store %arg10[%swap3A_238], %broadcast_in_dim3A_234 {strides = array<i32>} : memref<512xf32, #tpu.memory_space<vmem>>, vector<16xf32>,
    %swap3A_240 = arith.constant 48 : index
    %swap3A_241 = tpu.vector_load %arg10[%swap3A_240] {strides = array<i32>} : memref<512xf32, #tpu.memory_space<vmem>>, vector<16xf32>,
    tpu.vector_store %arg10[%swap3A_240], %broadcast_in_dim3A_234 {strides = array<i32>} : memref<512xf32, #tpu.memory_space<vmem>>, vector<16xf32>,
    %swap3A_242 = arith.constant 64 : index
    %swap3A_243 = tpu.vector_load %arg10[%swap3A_242] {strides = array<i32>} : memref<512xf32, #tpu.memory_space<vmem>>, vector<16xf32>,
    tpu.vector_store %arg10[%swap3A_242], %broadcast_in_dim3A_234 {strides = array<i32>} : memref<512xf32, #tpu.memory_space<vmem>>, vector<16xf32>,
    %swap3A_244 = arith.constant 80 : index
    %swap3A_245 = tpu.vector_load %arg10[%swap3A_244] {strides = array<i32>} : memref<512xf32, #tpu.memory_space<vmem>>, vector<16xf32>,
    tpu.vector_store %arg10[%swap3A_244], %broadcast_in_dim3A_234 {strides = array<i32>} : memref<512xf32, #tpu.memory_space<vmem>>, vector<16xf32>,
    %swap3A_246 = arith.constant 96 : index
    %swap3A_247 = tpu.vector_load %arg10[%swap3A_246] {strides = array<i32>} : memref<512xf32, #tpu.memory_space<vmem>>, vector<16xf32>,
    tpu.vector_store %arg10[%swap3A_246], %broadcast_in_dim3A_234 {strides = array<i32>} : memref<512xf32, #tpu.memory_space<vmem>>, vector<16xf32>,
    %swap3A_248 = arith.constant 112 : index
    %swap3A_249 = tpu.vector_load %arg10[%swap3A_248] {strides = array<i32>} : memref<512xf32, #tpu.memory_space<vmem>>, vector<16xf32>,
    tpu.vector_store %arg10[%swap3A_248], %broadcast_in_dim3A_234 {strides = array<i32>} : memref<512xf32, #tpu.memory_space<vmem>>, vector<16xf32>,
    %swap3A_250 = arith.constant 128 : index
    %swap3A_251 = tpu.vector_load %arg10[%swap3A_250] {strides = array<i32>} : memref<512xf32, #tpu.memory_space<vmem>>, vector<16xf32>,
    tpu.vector_store %arg10[%swap3A_250], %broadcast_in_dim3A_234 {strides = array<i32>} : memref<512xf32, #tpu.memory_space<vmem>>, vector<16xf32>,
    %swap3A_252 = arith.constant 144 : index
    %swap3A_253 = tpu.vector_load %arg10[%swap3A_252] {strides = array<i32>} : memref<512xf32, #tpu.memory_space<vmem>>, vector<16xf32>,
    tpu.vector_store %arg10[%swap3A_252], %broadcast_in_dim3A_234 {strides = array<i32>} : memref<512xf32, #tpu.memory_space<vmem>>, vector<16xf32>,
    %swap3A_254 = arith.constant 160 : index
    %swap3A_255 = tpu.vector_load %arg10[%swap3A_254] {strides = array<i32>} : memref<512xf32, #tpu.memory_space<vmem>>, vector<16xf32>,
    tpu.vector_store %arg10[%swap3A_254], %broadcast_in_dim3A_234 {strides = array<i32>} : memref<512xf32, #tpu.memory_space<vmem>>, vector<16xf32>,
    %swap3A_256 = arith.constant 176 : index
    %swap3A_257 = tpu.vector_load %arg10[%swap3A_256] {strides = array<i32>} : memref<512xf32, #tpu.memory_space<vmem>>, vector<16xf32>,
    tpu.vector_store %arg10[%swap3A_256], %broadcast_in_dim3A_234 {strides = array<i32>} : memref<512xf32, #tpu.memory_space<vmem>>, vector<16xf32>,
    %swap3A_258 = arith.constant 192 : index
    %swap3A_259 = tpu.vector_load %arg10[%swap3A_258] {strides = array<i32>} : memref<512xf32, #tpu.memory_space<vmem>>, vector<16xf32>,
    tpu.vector_store %arg10[%swap3A_258], %broadcast_in_dim3A_234 {strides = array<i32>} : memref<512xf32, #tpu.memory_space<vmem>>, vector<16xf32>,
    %swap3A_260 = arith.constant 208 : index
    %swap3A_261 = tpu.vector_load %arg10[%swap3A_260] {strides = array<i32>} : memref<512xf32, #tpu.memory_space<vmem>>, vector<16xf32>,
    tpu.vector_store %arg10[%swap3A_260], %broadcast_in_dim3A_234 {strides = array<i32>} : memref<512xf32, #tpu.memory_space<vmem>>, vector<16xf32>,
    %swap3A_262 = arith.constant 224 : index
    %swap3A_263 = tpu.vector_load %arg10[%swap3A_262] {strides = array<i32>} : memref<512xf32, #tpu.memory_space<vmem>>, vector<16xf32>,
    tpu.vector_store %arg10[%swap3A_262], %broadcast_in_dim3A_234 {strides = array<i32>} : memref<512xf32, #tpu.memory_space<vmem>>, vector<16xf32>,
    %swap3A_264 = arith.constant 240 : index
    %swap3A_265 = tpu.vector_load %arg10[%swap3A_264] {strides = array<i32>} : memref<512xf32, #tpu.memory_space<vmem>>, vector<16xf32>,
    tpu.vector_store %arg10[%swap3A_264], %broadcast_in_dim3A_234 {strides = array<i32>} : memref<512xf32, #tpu.memory_space<vmem>>, vector<16xf32>,
    %swap3A_266 = arith.constant 256 : index
    %swap3A_267 = tpu.vector_load %arg10[%swap3A_266] {strides = array<i32>} : memref<512xf32, #tpu.memory_space<vmem>>, vector<16xf32>,
    tpu.vector_store %arg10[%swap3A_266], %broadcast_in_dim3A_234 {strides = array<i32>} : memref<512xf32, #tpu.memory_space<vmem>>, vector<16xf32>,
    %swap3A_268 = arith.constant 272 : index
    %swap3A_269 = tpu.vector_load %arg10[%swap3A_268] {strides = array<i32>} : memref<512xf32, #tpu.memory_space<vmem>>, vector<16xf32>,
    tpu.vector_store %arg10[%swap3A_268], %broadcast_in_dim3A_234 {strides = array<i32>} : memref<512xf32, #tpu.memory_space<vmem>>, vector<16xf32>,
    %swap3A_270 = arith.constant 288 : index
    %swap3A_271 = tpu.vector_load %arg10[%swap3A_270] {strides = array<i32>} : memref<512xf32, #tpu.memory_space<vmem>>, vector<16xf32>,
    tpu.vector_store %arg10[%swap3A_270], %broadcast_in_dim3A_234 {strides = array<i32>} : memref<512xf32, #tpu.memory_space<vmem>>, vector<16xf32>,
    %swap3A_272 = arith.constant 304 : index
    %swap3A_273 = tpu.vector_load %arg10[%swap3A_272] {strides = array<i32>} : memref<512xf32, #tpu.memory_space<vmem>>, vector<16xf32>,
    tpu.vector_store %arg10[%swap3A_272], %broadcast_in_dim3A_234 {strides = array<i32>} : memref<512xf32, #tpu.memory_space<vmem>>, vector<16xf32>,
    %swap3A_274 = arith.constant 320 : index
    %swap3A_275 = tpu.vector_load %arg10[%swap3A_274] {strides = array<i32>} : memref<512xf32, #tpu.memory_space<vmem>>, vector<16xf32>,
    tpu.vector_store %arg10[%swap3A_274], %broadcast_in_dim3A_234 {strides = array<i32>} : memref<512xf32, #tpu.memory_space<vmem>>, vector<16xf32>,
    %swap3A_276 = arith.constant 336 : index
    %swap3A_277 = tpu.vector_load %arg10[%swap3A_276] {strides = array<i32>} : memref<512xf32, #tpu.memory_space<vmem>>, vector<16xf32>,
    tpu.vector_store %arg10[%swap3A_276], %broadcast_in_dim3A_234 {strides = array<i32>} : memref<512xf32, #tpu.memory_space<vmem>>, vector<16xf32>,
    %swap3A_278 = arith.constant 352 : index
    %swap3A_279 = tpu.vector_load %arg10[%swap3A_278] {strides = array<i32>} : memref<512xf32, #tpu.memory_space<vmem>>, vector<16xf32>,
    tpu.vector_store %arg10[%swap3A_278], %broadcast_in_dim3A_234 {strides = array<i32>} : memref<512xf32, #tpu.memory_space<vmem>>, vector<16xf32>,
    %swap3A_280 = arith.constant 368 : index
    %swap3A_281 = tpu.vector_load %arg10[%swap3A_280] {strides = array<i32>} : memref<512xf32, #tpu.memory_space<vmem>>, vector<16xf32>,
    tpu.vector_store %arg10[%swap3A_280], %broadcast_in_dim3A_234 {strides = array<i32>} : memref<512xf32, #tpu.memory_space<vmem>>, vector<16xf32>,
    %swap3A_282 = arith.constant 384 : index
    %swap3A_283 = tpu.vector_load %arg10[%swap3A_282] {strides = array<i32>} : memref<512xf32, #tpu.memory_space<vmem>>, vector<16xf32>,
    tpu.vector_store %arg10[%swap3A_282], %broadcast_in_dim3A_234 {strides = array<i32>} : memref<512xf32, #tpu.memory_space<vmem>>, vector<16xf32>,
    %swap3A_284 = arith.constant 400 : index
    %swap3A_285 = tpu.vector_load %arg10[%swap3A_284] {strides = array<i32>} : memref<512xf32, #tpu.memory_space<vmem>>, vector<16xf32>,
    tpu.vector_store %arg10[%swap3A_284], %broadcast_in_dim3A_234 {strides = array<i32>} : memref<512xf32, #tpu.memory_space<vmem>>, vector<16xf32>,
    %swap3A_286 = arith.constant 416 : index
    %swap3A_287 = tpu.vector_load %arg10[%swap3A_286] {strides = array<i32>} : memref<512xf32, #tpu.memory_space<vmem>>, vector<16xf32>,
    tpu.vector_store %arg10[%swap3A_286], %broadcast_in_dim3A_234 {strides = array<i32>} : memref<512xf32, #tpu.memory_space<vmem>>, vector<16xf32>,
    %swap3A_288 = arith.constant 432 : index
    %swap3A_289 = tpu.vector_load %arg10[%swap3A_288] {strides = array<i32>} : memref<512xf32, #tpu.memory_space<vmem>>, vector<16xf32>,
    tpu.vector_store %arg10[%swap3A_288], %broadcast_in_dim3A_234 {strides = array<i32>} : memref<512xf32, #tpu.memory_space<vmem>>, vector<16xf32>,
    %swap3A_290 = arith.constant 448 : index
    %swap3A_291 = tpu.vector_load %arg10[%swap3A_290] {strides = array<i32>} : memref<512xf32, #tpu.memory_space<vmem>>, vector<16xf32>,
    tpu.vector_store %arg10[%swap3A_290], %broadcast_in_dim3A_234 {strides = array<i32>} : memref<512xf32, #tpu.memory_space<vmem>>, vector<16xf32>,
    %swap3A_292 = arith.constant 464 : index
    %swap3A_293 = tpu.vector_load %arg10[%swap3A_292] {strides = array<i32>} : memref<512xf32, #tpu.memory_space<vmem>>, vector<16xf32>,
    tpu.vector_store %arg10[%swap3A_292], %broadcast_in_dim3A_234 {strides = array<i32>} : memref<512xf32, #tpu.memory_space<vmem>>, vector<16xf32>,
    %swap3A_294 = arith.constant 480 : index
    %swap3A_295 = tpu.vector_load %arg10[%swap3A_294] {strides = array<i32>} : memref<512xf32, #tpu.memory_space<vmem>>, vector<16xf32>,
    tpu.vector_store %arg10[%swap3A_294], %broadcast_in_dim3A_234 {strides = array<i32>} : memref<512xf32, #tpu.memory_space<vmem>>, vector<16xf32>,
    %swap3A_296 = arith.constant 496 : index
    %swap3A_297 = tpu.vector_load %arg10[%swap3A_296] {strides = array<i32>} : memref<512xf32, #tpu.memory_space<vmem>>, vector<16xf32>,
    tpu.vector_store %arg10[%swap3A_296], %broadcast_in_dim3A_234 {strides = array<i32>} : memref<512xf32, #tpu.memory_space<vmem>>, vector<16xf32>,
    %scan3A = arith.constant 0 : i32
    %scan3A_298 = arith.constant 0 : i32
    %scan3A_299 = arith.constant 26 : i32
    %scan3A_300 = arith.addi %scan3A_298, %scan3A_299 : i32
    %scan3A_301 = arith.constant 1 : i32
    scf.for %scan3A_783 = %scan3A_298 to %scan3A_300 step %scan3A_301  : i32 {
      %mul3A_784 = arith.constant 512 : i32
      %mul3A_785 = arith.muli %scan3A_783, %mul3A_784 : i32
      %dma_wait3A = tpu.memref_slice %arg9[%mul3A_785] : memref<13312xf32, #tpu.memory_space<vmem>> -> memref<512xf32, #tpu.memory_space<vmem>>
      %dma_wait3A_786 = tpu.memref_slice %arg7[%mul3A_785] : memref<13312xi32, #tpu.memory_space<vmem>> -> memref<512xi32, #tpu.memory_space<vmem>>
      %dma_wait3A_787 = arith.constant 0 : i32
      %dma_wait3A_788 = tpu.memref_slice %arg4[%dma_wait3A_787] : memref<1000000xf32, #tpu.memory_space<hbm>> -> memref<1000000xf32, #tpu.memory_space<hbm>>
      %dma_wait3A_789 = tpu.memref_slice %arg13[%scan3A_783] : memref<26x!tpu.dma_semaphore, #tpu.memory_space<semaphore_mem>> -> memref<1x!tpu.dma_semaphore, #tpu.memory_space<semaphore_mem>>
      %dma_wait3A_790 = tpu.memref_squeeze %dma_wait3A_789 : memref<1x!tpu.dma_semaphore, #tpu.memory_space<semaphore_mem>> -> memref<!tpu.dma_semaphore, #tpu.memory_space<semaphore_mem>>
      tpu.wait_indirect_dma semaphore(%dma_wait3A_790 : memref<!tpu.dma_semaphore, #tpu.memory_space<semaphore_mem>>) src(%dma_wait3A_788 : memref<1000000xf32, #tpu.memory_space<hbm>>) dst(%dma_wait3A : memref<512xf32, #tpu.memory_space<vmem>>)
      %add3A_791 = arith.constant 0 : i32
      %add3A_792 = arith.addi %mul3A_785, %add3A_791 : i32
      %get3A_793 = arith.index_cast %add3A_792 : i32 to index
      %get3A_794 = tpu.vector_load %arg9[%get3A_793] {strides = array<i32>} : memref<13312xf32, #tpu.memory_space<vmem>>, vector<16xf32>,
      %add3A_795 = arith.constant 0 : i32
      %add3A_796 = arith.addi %mul3A_785, %add3A_795 : i32
      %get3A_797 = arith.index_cast %add3A_796 : i32 to index
      %get3A_798 = tpu.vector_load %arg8[%get3A_797] {strides = array<i32>} : memref<13312xf32, #tpu.memory_space<vmem>>, vector<16xf32>,
      %mul3A_799 = arith.mulf %get3A_794, %get3A_798 : vector<16xf32>
      %swap3A_800 = arith.constant 0 : index
      %swap3A_801 = tpu.vector_load %arg10[%swap3A_800] {strides = array<i32>} : memref<512xf32, #tpu.memory_space<vmem>>, vector<16xf32>,
      tpu.vector_store %arg10[%swap3A_800], %mul3A_799 {add = true, strides = array<i32>} : memref<512xf32, #tpu.memory_space<vmem>>, vector<16xf32>,
      %add3A_802 = arith.constant 16 : i32
      %add3A_803 = arith.addi %mul3A_785, %add3A_802 : i32
      %get3A_804 = arith.index_cast %add3A_803 : i32 to index
      %get3A_805 = tpu.vector_load %arg9[%get3A_804] {strides = array<i32>} : memref<13312xf32, #tpu.memory_space<vmem>>, vector<16xf32>,
      %add3A_806 = arith.constant 16 : i32
      %add3A_807 = arith.addi %mul3A_785, %add3A_806 : i32
      %get3A_808 = arith.index_cast %add3A_807 : i32 to index
      %get3A_809 = tpu.vector_load %arg8[%get3A_808] {strides = array<i32>} : memref<13312xf32, #tpu.memory_space<vmem>>, vector<16xf32>,
      %mul3A_810 = arith.mulf %get3A_805, %get3A_809 : vector<16xf32>
      %swap3A_811 = arith.constant 16 : index
      %swap3A_812 = tpu.vector_load %arg10[%swap3A_811] {strides = array<i32>} : memref<512xf32, #tpu.memory_space<vmem>>, vector<16xf32>,
      tpu.vector_store %arg10[%swap3A_811], %mul3A_810 {add = true, strides = array<i32>} : memref<512xf32, #tpu.memory_space<vmem>>, vector<16xf32>,
      %add3A_813 = arith.constant 32 : i32
      %add3A_814 = arith.addi %mul3A_785, %add3A_813 : i32
      %get3A_815 = arith.index_cast %add3A_814 : i32 to index
      %get3A_816 = tpu.vector_load %arg9[%get3A_815] {strides = array<i32>} : memref<13312xf32, #tpu.memory_space<vmem>>, vector<16xf32>,
      %add3A_817 = arith.constant 32 : i32
      %add3A_818 = arith.addi %mul3A_785, %add3A_817 : i32
      %get3A_819 = arith.index_cast %add3A_818 : i32 to index
      %get3A_820 = tpu.vector_load %arg8[%get3A_819] {strides = array<i32>} : memref<13312xf32, #tpu.memory_space<vmem>>, vector<16xf32>,
      %mul3A_821 = arith.mulf %get3A_816, %get3A_820 : vector<16xf32>
      %swap3A_822 = arith.constant 32 : index
      %swap3A_823 = tpu.vector_load %arg10[%swap3A_822] {strides = array<i32>} : memref<512xf32, #tpu.memory_space<vmem>>, vector<16xf32>,
      tpu.vector_store %arg10[%swap3A_822], %mul3A_821 {add = true, strides = array<i32>} : memref<512xf32, #tpu.memory_space<vmem>>, vector<16xf32>,
      %add3A_824 = arith.constant 48 : i32
      %add3A_825 = arith.addi %mul3A_785, %add3A_824 : i32
      %get3A_826 = arith.index_cast %add3A_825 : i32 to index
      %get3A_827 = tpu.vector_load %arg9[%get3A_826] {strides = array<i32>} : memref<13312xf32, #tpu.memory_space<vmem>>, vector<16xf32>,
      %add3A_828 = arith.constant 48 : i32
      %add3A_829 = arith.addi %mul3A_785, %add3A_828 : i32
      %get3A_830 = arith.index_cast %add3A_829 : i32 to index
      %get3A_831 = tpu.vector_load %arg8[%get3A_830] {strides = array<i32>} : memref<13312xf32, #tpu.memory_space<vmem>>, vector<16xf32>,
      %mul3A_832 = arith.mulf %get3A_827, %get3A_831 : vector<16xf32>
      %swap3A_833 = arith.constant 48 : index
      %swap3A_834 = tpu.vector_load %arg10[%swap3A_833] {strides = array<i32>} : memref<512xf32, #tpu.memory_space<vmem>>, vector<16xf32>,
      tpu.vector_store %arg10[%swap3A_833], %mul3A_832 {add = true, strides = array<i32>} : memref<512xf32, #tpu.memory_space<vmem>>, vector<16xf32>,
      %add3A_835 = arith.constant 64 : i32
      %add3A_836 = arith.addi %mul3A_785, %add3A_835 : i32
      %get3A_837 = arith.index_cast %add3A_836 : i32 to index
      %get3A_838 = tpu.vector_load %arg9[%get3A_837] {strides = array<i32>} : memref<13312xf32, #tpu.memory_space<vmem>>, vector<16xf32>,
      %add3A_839 = arith.constant 64 : i32
      %add3A_840 = arith.addi %mul3A_785, %add3A_839 : i32
      %get3A_841 = arith.index_cast %add3A_840 : i32 to index
      %get3A_842 = tpu.vector_load %arg8[%get3A_841] {strides = array<i32>} : memref<13312xf32, #tpu.memory_space<vmem>>, vector<16xf32>,
      %mul3A_843 = arith.mulf %get3A_838, %get3A_842 : vector<16xf32>
      %swap3A_844 = arith.constant 64 : index
      %swap3A_845 = tpu.vector_load %arg10[%swap3A_844] {strides = array<i32>} : memref<512xf32, #tpu.memory_space<vmem>>, vector<16xf32>,
      tpu.vector_store %arg10[%swap3A_844], %mul3A_843 {add = true, strides = array<i32>} : memref<512xf32, #tpu.memory_space<vmem>>, vector<16xf32>,
      %add3A_846 = arith.constant 80 : i32
      %add3A_847 = arith.addi %mul3A_785, %add3A_846 : i32
      %get3A_848 = arith.index_cast %add3A_847 : i32 to index
      %get3A_849 = tpu.vector_load %arg9[%get3A_848] {strides = array<i32>} : memref<13312xf32, #tpu.memory_space<vmem>>, vector<16xf32>,
      %add3A_850 = arith.constant 80 : i32
      %add3A_851 = arith.addi %mul3A_785, %add3A_850 : i32
      %get3A_852 = arith.index_cast %add3A_851 : i32 to index
      %get3A_853 = tpu.vector_load %arg8[%get3A_852] {strides = array<i32>} : memref<13312xf32, #tpu.memory_space<vmem>>, vector<16xf32>,
      %mul3A_854 = arith.mulf %get3A_849, %get3A_853 : vector<16xf32>
      %swap3A_855 = arith.constant 80 : index
      %swap3A_856 = tpu.vector_load %arg10[%swap3A_855] {strides = array<i32>} : memref<512xf32, #tpu.memory_space<vmem>>, vector<16xf32>,
      tpu.vector_store %arg10[%swap3A_855], %mul3A_854 {add = true, strides = array<i32>} : memref<512xf32, #tpu.memory_space<vmem>>, vector<16xf32>,
      %add3A_857 = arith.constant 96 : i32
      %add3A_858 = arith.addi %mul3A_785, %add3A_857 : i32
      %get3A_859 = arith.index_cast %add3A_858 : i32 to index
      %get3A_860 = tpu.vector_load %arg9[%get3A_859] {strides = array<i32>} : memref<13312xf32, #tpu.memory_space<vmem>>, vector<16xf32>,
      %add3A_861 = arith.constant 96 : i32
      %add3A_862 = arith.addi %mul3A_785, %add3A_861 : i32
      %get3A_863 = arith.index_cast %add3A_862 : i32 to index
      %get3A_864 = tpu.vector_load %arg8[%get3A_863] {strides = array<i32>} : memref<13312xf32, #tpu.memory_space<vmem>>, vector<16xf32>,
      %mul3A_865 = arith.mulf %get3A_860, %get3A_864 : vector<16xf32>
      %swap3A_866 = arith.constant 96 : index
      %swap3A_867 = tpu.vector_load %arg10[%swap3A_866] {strides = array<i32>} : memref<512xf32, #tpu.memory_space<vmem>>, vector<16xf32>,
      tpu.vector_store %arg10[%swap3A_866], %mul3A_865 {add = true, strides = array<i32>} : memref<512xf32, #tpu.memory_space<vmem>>, vector<16xf32>,
      %add3A_868 = arith.constant 112 : i32
      %add3A_869 = arith.addi %mul3A_785, %add3A_868 : i32
      %get3A_870 = arith.index_cast %add3A_869 : i32 to index
      %get3A_871 = tpu.vector_load %arg9[%get3A_870] {strides = array<i32>} : memref<13312xf32, #tpu.memory_space<vmem>>, vector<16xf32>,
      %add3A_872 = arith.constant 112 : i32
      %add3A_873 = arith.addi %mul3A_785, %add3A_872 : i32
      %get3A_874 = arith.index_cast %add3A_873 : i32 to index
      %get3A_875 = tpu.vector_load %arg8[%get3A_874] {strides = array<i32>} : memref<13312xf32, #tpu.memory_space<vmem>>, vector<16xf32>,
      %mul3A_876 = arith.mulf %get3A_871, %get3A_875 : vector<16xf32>
      %swap3A_877 = arith.constant 112 : index
      %swap3A_878 = tpu.vector_load %arg10[%swap3A_877] {strides = array<i32>} : memref<512xf32, #tpu.memory_space<vmem>>, vector<16xf32>,
      tpu.vector_store %arg10[%swap3A_877], %mul3A_876 {add = true, strides = array<i32>} : memref<512xf32, #tpu.memory_space<vmem>>, vector<16xf32>,
      %add3A_879 = arith.constant 128 : i32
      %add3A_880 = arith.addi %mul3A_785, %add3A_879 : i32
      %get3A_881 = arith.index_cast %add3A_880 : i32 to index
      %get3A_882 = tpu.vector_load %arg9[%get3A_881] {strides = array<i32>} : memref<13312xf32, #tpu.memory_space<vmem>>, vector<16xf32>,
      %add3A_883 = arith.constant 128 : i32
      %add3A_884 = arith.addi %mul3A_785, %add3A_883 : i32
      %get3A_885 = arith.index_cast %add3A_884 : i32 to index
      %get3A_886 = tpu.vector_load %arg8[%get3A_885] {strides = array<i32>} : memref<13312xf32, #tpu.memory_space<vmem>>, vector<16xf32>,
      %mul3A_887 = arith.mulf %get3A_882, %get3A_886 : vector<16xf32>
      %swap3A_888 = arith.constant 128 : index
      %swap3A_889 = tpu.vector_load %arg10[%swap3A_888] {strides = array<i32>} : memref<512xf32, #tpu.memory_space<vmem>>, vector<16xf32>,
      tpu.vector_store %arg10[%swap3A_888], %mul3A_887 {add = true, strides = array<i32>} : memref<512xf32, #tpu.memory_space<vmem>>, vector<16xf32>,
      %add3A_890 = arith.constant 144 : i32
      %add3A_891 = arith.addi %mul3A_785, %add3A_890 : i32
      %get3A_892 = arith.index_cast %add3A_891 : i32 to index
      %get3A_893 = tpu.vector_load %arg9[%get3A_892] {strides = array<i32>} : memref<13312xf32, #tpu.memory_space<vmem>>, vector<16xf32>,
      %add3A_894 = arith.constant 144 : i32
      %add3A_895 = arith.addi %mul3A_785, %add3A_894 : i32
      %get3A_896 = arith.index_cast %add3A_895 : i32 to index
      %get3A_897 = tpu.vector_load %arg8[%get3A_896] {strides = array<i32>} : memref<13312xf32, #tpu.memory_space<vmem>>, vector<16xf32>,
      %mul3A_898 = arith.mulf %get3A_893, %get3A_897 : vector<16xf32>
      %swap3A_899 = arith.constant 144 : index
      %swap3A_900 = tpu.vector_load %arg10[%swap3A_899] {strides = array<i32>} : memref<512xf32, #tpu.memory_space<vmem>>, vector<16xf32>,
      tpu.vector_store %arg10[%swap3A_899], %mul3A_898 {add = true, strides = array<i32>} : memref<512xf32, #tpu.memory_space<vmem>>, vector<16xf32>,
      %add3A_901 = arith.constant 160 : i32
      %add3A_902 = arith.addi %mul3A_785, %add3A_901 : i32
      %get3A_903 = arith.index_cast %add3A_902 : i32 to index
      %get3A_904 = tpu.vector_load %arg9[%get3A_903] {strides = array<i32>} : memref<13312xf32, #tpu.memory_space<vmem>>, vector<16xf32>,
      %add3A_905 = arith.constant 160 : i32
      %add3A_906 = arith.addi %mul3A_785, %add3A_905 : i32
      %get3A_907 = arith.index_cast %add3A_906 : i32 to index
      %get3A_908 = tpu.vector_load %arg8[%get3A_907] {strides = array<i32>} : memref<13312xf32, #tpu.memory_space<vmem>>, vector<16xf32>,
      %mul3A_909 = arith.mulf %get3A_904, %get3A_908 : vector<16xf32>
      %swap3A_910 = arith.constant 160 : index
      %swap3A_911 = tpu.vector_load %arg10[%swap3A_910] {strides = array<i32>} : memref<512xf32, #tpu.memory_space<vmem>>, vector<16xf32>,
      tpu.vector_store %arg10[%swap3A_910], %mul3A_909 {add = true, strides = array<i32>} : memref<512xf32, #tpu.memory_space<vmem>>, vector<16xf32>,
      %add3A_912 = arith.constant 176 : i32
      %add3A_913 = arith.addi %mul3A_785, %add3A_912 : i32
      %get3A_914 = arith.index_cast %add3A_913 : i32 to index
      %get3A_915 = tpu.vector_load %arg9[%get3A_914] {strides = array<i32>} : memref<13312xf32, #tpu.memory_space<vmem>>, vector<16xf32>,
      %add3A_916 = arith.constant 176 : i32
      %add3A_917 = arith.addi %mul3A_785, %add3A_916 : i32
      %get3A_918 = arith.index_cast %add3A_917 : i32 to index
      %get3A_919 = tpu.vector_load %arg8[%get3A_918] {strides = array<i32>} : memref<13312xf32, #tpu.memory_space<vmem>>, vector<16xf32>,
      %mul3A_920 = arith.mulf %get3A_915, %get3A_919 : vector<16xf32>
      %swap3A_921 = arith.constant 176 : index
      %swap3A_922 = tpu.vector_load %arg10[%swap3A_921] {strides = array<i32>} : memref<512xf32, #tpu.memory_space<vmem>>, vector<16xf32>,
      tpu.vector_store %arg10[%swap3A_921], %mul3A_920 {add = true, strides = array<i32>} : memref<512xf32, #tpu.memory_space<vmem>>, vector<16xf32>,
      %add3A_923 = arith.constant 192 : i32
      %add3A_924 = arith.addi %mul3A_785, %add3A_923 : i32
      %get3A_925 = arith.index_cast %add3A_924 : i32 to index
      %get3A_926 = tpu.vector_load %arg9[%get3A_925] {strides = array<i32>} : memref<13312xf32, #tpu.memory_space<vmem>>, vector<16xf32>,
      %add3A_927 = arith.constant 192 : i32
      %add3A_928 = arith.addi %mul3A_785, %add3A_927 : i32
      %get3A_929 = arith.index_cast %add3A_928 : i32 to index
      %get3A_930 = tpu.vector_load %arg8[%get3A_929] {strides = array<i32>} : memref<13312xf32, #tpu.memory_space<vmem>>, vector<16xf32>,
      %mul3A_931 = arith.mulf %get3A_926, %get3A_930 : vector<16xf32>
      %swap3A_932 = arith.constant 192 : index
      %swap3A_933 = tpu.vector_load %arg10[%swap3A_932] {strides = array<i32>} : memref<512xf32, #tpu.memory_space<vmem>>, vector<16xf32>,
      tpu.vector_store %arg10[%swap3A_932], %mul3A_931 {add = true, strides = array<i32>} : memref<512xf32, #tpu.memory_space<vmem>>, vector<16xf32>,
      %add3A_934 = arith.constant 208 : i32
      %add3A_935 = arith.addi %mul3A_785, %add3A_934 : i32
      %get3A_936 = arith.index_cast %add3A_935 : i32 to index
      %get3A_937 = tpu.vector_load %arg9[%get3A_936] {strides = array<i32>} : memref<13312xf32, #tpu.memory_space<vmem>>, vector<16xf32>,
      %add3A_938 = arith.constant 208 : i32
      %add3A_939 = arith.addi %mul3A_785, %add3A_938 : i32
      %get3A_940 = arith.index_cast %add3A_939 : i32 to index
      %get3A_941 = tpu.vector_load %arg8[%get3A_940] {strides = array<i32>} : memref<13312xf32, #tpu.memory_space<vmem>>, vector<16xf32>,
      %mul3A_942 = arith.mulf %get3A_937, %get3A_941 : vector<16xf32>
      %swap3A_943 = arith.constant 208 : index
      %swap3A_944 = tpu.vector_load %arg10[%swap3A_943] {strides = array<i32>} : memref<512xf32, #tpu.memory_space<vmem>>, vector<16xf32>,
      tpu.vector_store %arg10[%swap3A_943], %mul3A_942 {add = true, strides = array<i32>} : memref<512xf32, #tpu.memory_space<vmem>>, vector<16xf32>,
      %add3A_945 = arith.constant 224 : i32
      %add3A_946 = arith.addi %mul3A_785, %add3A_945 : i32
      %get3A_947 = arith.index_cast %add3A_946 : i32 to index
      %get3A_948 = tpu.vector_load %arg9[%get3A_947] {strides = array<i32>} : memref<13312xf32, #tpu.memory_space<vmem>>, vector<16xf32>,
      %add3A_949 = arith.constant 224 : i32
      %add3A_950 = arith.addi %mul3A_785, %add3A_949 : i32
      %get3A_951 = arith.index_cast %add3A_950 : i32 to index
      %get3A_952 = tpu.vector_load %arg8[%get3A_951] {strides = array<i32>} : memref<13312xf32, #tpu.memory_space<vmem>>, vector<16xf32>,
      %mul3A_953 = arith.mulf %get3A_948, %get3A_952 : vector<16xf32>
      %swap3A_954 = arith.constant 224 : index
      %swap3A_955 = tpu.vector_load %arg10[%swap3A_954] {strides = array<i32>} : memref<512xf32, #tpu.memory_space<vmem>>, vector<16xf32>,
      tpu.vector_store %arg10[%swap3A_954], %mul3A_953 {add = true, strides = array<i32>} : memref<512xf32, #tpu.memory_space<vmem>>, vector<16xf32>,
      %add3A_956 = arith.constant 240 : i32
      %add3A_957 = arith.addi %mul3A_785, %add3A_956 : i32
      %get3A_958 = arith.index_cast %add3A_957 : i32 to index
      %get3A_959 = tpu.vector_load %arg9[%get3A_958] {strides = array<i32>} : memref<13312xf32, #tpu.memory_space<vmem>>, vector<16xf32>,
      %add3A_960 = arith.constant 240 : i32
      %add3A_961 = arith.addi %mul3A_785, %add3A_960 : i32
      %get3A_962 = arith.index_cast %add3A_961 : i32 to index
      %get3A_963 = tpu.vector_load %arg8[%get3A_962] {strides = array<i32>} : memref<13312xf32, #tpu.memory_space<vmem>>, vector<16xf32>,
      %mul3A_964 = arith.mulf %get3A_959, %get3A_963 : vector<16xf32>
      %swap3A_965 = arith.constant 240 : index
      %swap3A_966 = tpu.vector_load %arg10[%swap3A_965] {strides = array<i32>} : memref<512xf32, #tpu.memory_space<vmem>>, vector<16xf32>,
      tpu.vector_store %arg10[%swap3A_965], %mul3A_964 {add = true, strides = array<i32>} : memref<512xf32, #tpu.memory_space<vmem>>, vector<16xf32>,
      %add3A_967 = arith.constant 256 : i32
      %add3A_968 = arith.addi %mul3A_785, %add3A_967 : i32
      %get3A_969 = arith.index_cast %add3A_968 : i32 to index
      %get3A_970 = tpu.vector_load %arg9[%get3A_969] {strides = array<i32>} : memref<13312xf32, #tpu.memory_space<vmem>>, vector<16xf32>,
      %add3A_971 = arith.constant 256 : i32
      %add3A_972 = arith.addi %mul3A_785, %add3A_971 : i32
      %get3A_973 = arith.index_cast %add3A_972 : i32 to index
      %get3A_974 = tpu.vector_load %arg8[%get3A_973] {strides = array<i32>} : memref<13312xf32, #tpu.memory_space<vmem>>, vector<16xf32>,
      %mul3A_975 = arith.mulf %get3A_970, %get3A_974 : vector<16xf32>
      %swap3A_976 = arith.constant 256 : index
      %swap3A_977 = tpu.vector_load %arg10[%swap3A_976] {strides = array<i32>} : memref<512xf32, #tpu.memory_space<vmem>>, vector<16xf32>,
      tpu.vector_store %arg10[%swap3A_976], %mul3A_975 {add = true, strides = array<i32>} : memref<512xf32, #tpu.memory_space<vmem>>, vector<16xf32>,
      %add3A_978 = arith.constant 272 : i32
      %add3A_979 = arith.addi %mul3A_785, %add3A_978 : i32
      %get3A_980 = arith.index_cast %add3A_979 : i32 to index
      %get3A_981 = tpu.vector_load %arg9[%get3A_980] {strides = array<i32>} : memref<13312xf32, #tpu.memory_space<vmem>>, vector<16xf32>,
      %add3A_982 = arith.constant 272 : i32
      %add3A_983 = arith.addi %mul3A_785, %add3A_982 : i32
      %get3A_984 = arith.index_cast %add3A_983 : i32 to index
      %get3A_985 = tpu.vector_load %arg8[%get3A_984] {strides = array<i32>} : memref<13312xf32, #tpu.memory_space<vmem>>, vector<16xf32>,
      %mul3A_986 = arith.mulf %get3A_981, %get3A_985 : vector<16xf32>
      %swap3A_987 = arith.constant 272 : index
      %swap3A_988 = tpu.vector_load %arg10[%swap3A_987] {strides = array<i32>} : memref<512xf32, #tpu.memory_space<vmem>>, vector<16xf32>,
      tpu.vector_store %arg10[%swap3A_987], %mul3A_986 {add = true, strides = array<i32>} : memref<512xf32, #tpu.memory_space<vmem>>, vector<16xf32>,
      %add3A_989 = arith.constant 288 : i32
      %add3A_990 = arith.addi %mul3A_785, %add3A_989 : i32
      %get3A_991 = arith.index_cast %add3A_990 : i32 to index
      %get3A_992 = tpu.vector_load %arg9[%get3A_991] {strides = array<i32>} : memref<13312xf32, #tpu.memory_space<vmem>>, vector<16xf32>,
      %add3A_993 = arith.constant 288 : i32
      %add3A_994 = arith.addi %mul3A_785, %add3A_993 : i32
      %get3A_995 = arith.index_cast %add3A_994 : i32 to index
      %get3A_996 = tpu.vector_load %arg8[%get3A_995] {strides = array<i32>} : memref<13312xf32, #tpu.memory_space<vmem>>, vector<16xf32>,
      %mul3A_997 = arith.mulf %get3A_992, %get3A_996 : vector<16xf32>
      %swap3A_998 = arith.constant 288 : index
      %swap3A_999 = tpu.vector_load %arg10[%swap3A_998] {strides = array<i32>} : memref<512xf32, #tpu.memory_space<vmem>>, vector<16xf32>,
      tpu.vector_store %arg10[%swap3A_998], %mul3A_997 {add = true, strides = array<i32>} : memref<512xf32, #tpu.memory_space<vmem>>, vector<16xf32>,
      %add3A_1000 = arith.constant 304 : i32
      %add3A_1001 = arith.addi %mul3A_785, %add3A_1000 : i32
      %get3A_1002 = arith.index_cast %add3A_1001 : i32 to index
      %get3A_1003 = tpu.vector_load %arg9[%get3A_1002] {strides = array<i32>} : memref<13312xf32, #tpu.memory_space<vmem>>, vector<16xf32>,
      %add3A_1004 = arith.constant 304 : i32
      %add3A_1005 = arith.addi %mul3A_785, %add3A_1004 : i32
      %get3A_1006 = arith.index_cast %add3A_1005 : i32 to index
      %get3A_1007 = tpu.vector_load %arg8[%get3A_1006] {strides = array<i32>} : memref<13312xf32, #tpu.memory_space<vmem>>, vector<16xf32>,
      %mul3A_1008 = arith.mulf %get3A_1003, %get3A_1007 : vector<16xf32>
      %swap3A_1009 = arith.constant 304 : index
      %swap3A_1010 = tpu.vector_load %arg10[%swap3A_1009] {strides = array<i32>} : memref<512xf32, #tpu.memory_space<vmem>>, vector<16xf32>,
      tpu.vector_store %arg10[%swap3A_1009], %mul3A_1008 {add = true, strides = array<i32>} : memref<512xf32, #tpu.memory_space<vmem>>, vector<16xf32>,
      %add3A_1011 = arith.constant 320 : i32
      %add3A_1012 = arith.addi %mul3A_785, %add3A_1011 : i32
      %get3A_1013 = arith.index_cast %add3A_1012 : i32 to index
      %get3A_1014 = tpu.vector_load %arg9[%get3A_1013] {strides = array<i32>} : memref<13312xf32, #tpu.memory_space<vmem>>, vector<16xf32>,
      %add3A_1015 = arith.constant 320 : i32
      %add3A_1016 = arith.addi %mul3A_785, %add3A_1015 : i32
      %get3A_1017 = arith.index_cast %add3A_1016 : i32 to index
      %get3A_1018 = tpu.vector_load %arg8[%get3A_1017] {strides = array<i32>} : memref<13312xf32, #tpu.memory_space<vmem>>, vector<16xf32>,
      %mul3A_1019 = arith.mulf %get3A_1014, %get3A_1018 : vector<16xf32>
      %swap3A_1020 = arith.constant 320 : index
      %swap3A_1021 = tpu.vector_load %arg10[%swap3A_1020] {strides = array<i32>} : memref<512xf32, #tpu.memory_space<vmem>>, vector<16xf32>,
      tpu.vector_store %arg10[%swap3A_1020], %mul3A_1019 {add = true, strides = array<i32>} : memref<512xf32, #tpu.memory_space<vmem>>, vector<16xf32>,
      %add3A_1022 = arith.constant 336 : i32
      %add3A_1023 = arith.addi %mul3A_785, %add3A_1022 : i32
      %get3A_1024 = arith.index_cast %add3A_1023 : i32 to index
      %get3A_1025 = tpu.vector_load %arg9[%get3A_1024] {strides = array<i32>} : memref<13312xf32, #tpu.memory_space<vmem>>, vector<16xf32>,
      %add3A_1026 = arith.constant 336 : i32
      %add3A_1027 = arith.addi %mul3A_785, %add3A_1026 : i32
      %get3A_1028 = arith.index_cast %add3A_1027 : i32 to index
      %get3A_1029 = tpu.vector_load %arg8[%get3A_1028] {strides = array<i32>} : memref<13312xf32, #tpu.memory_space<vmem>>, vector<16xf32>,
      %mul3A_1030 = arith.mulf %get3A_1025, %get3A_1029 : vector<16xf32>
      %swap3A_1031 = arith.constant 336 : index
      %swap3A_1032 = tpu.vector_load %arg10[%swap3A_1031] {strides = array<i32>} : memref<512xf32, #tpu.memory_space<vmem>>, vector<16xf32>,
      tpu.vector_store %arg10[%swap3A_1031], %mul3A_1030 {add = true, strides = array<i32>} : memref<512xf32, #tpu.memory_space<vmem>>, vector<16xf32>,
      %add3A_1033 = arith.constant 352 : i32
      %add3A_1034 = arith.addi %mul3A_785, %add3A_1033 : i32
      %get3A_1035 = arith.index_cast %add3A_1034 : i32 to index
      %get3A_1036 = tpu.vector_load %arg9[%get3A_1035] {strides = array<i32>} : memref<13312xf32, #tpu.memory_space<vmem>>, vector<16xf32>,
      %add3A_1037 = arith.constant 352 : i32
      %add3A_1038 = arith.addi %mul3A_785, %add3A_1037 : i32
      %get3A_1039 = arith.index_cast %add3A_1038 : i32 to index
      %get3A_1040 = tpu.vector_load %arg8[%get3A_1039] {strides = array<i32>} : memref<13312xf32, #tpu.memory_space<vmem>>, vector<16xf32>,
      %mul3A_1041 = arith.mulf %get3A_1036, %get3A_1040 : vector<16xf32>
      %swap3A_1042 = arith.constant 352 : index
      %swap3A_1043 = tpu.vector_load %arg10[%swap3A_1042] {strides = array<i32>} : memref<512xf32, #tpu.memory_space<vmem>>, vector<16xf32>,
      tpu.vector_store %arg10[%swap3A_1042], %mul3A_1041 {add = true, strides = array<i32>} : memref<512xf32, #tpu.memory_space<vmem>>, vector<16xf32>,
      %add3A_1044 = arith.constant 368 : i32
      %add3A_1045 = arith.addi %mul3A_785, %add3A_1044 : i32
      %get3A_1046 = arith.index_cast %add3A_1045 : i32 to index
      %get3A_1047 = tpu.vector_load %arg9[%get3A_1046] {strides = array<i32>} : memref<13312xf32, #tpu.memory_space<vmem>>, vector<16xf32>,
      %add3A_1048 = arith.constant 368 : i32
      %add3A_1049 = arith.addi %mul3A_785, %add3A_1048 : i32
      %get3A_1050 = arith.index_cast %add3A_1049 : i32 to index
      %get3A_1051 = tpu.vector_load %arg8[%get3A_1050] {strides = array<i32>} : memref<13312xf32, #tpu.memory_space<vmem>>, vector<16xf32>,
      %mul3A_1052 = arith.mulf %get3A_1047, %get3A_1051 : vector<16xf32>
      %swap3A_1053 = arith.constant 368 : index
      %swap3A_1054 = tpu.vector_load %arg10[%swap3A_1053] {strides = array<i32>} : memref<512xf32, #tpu.memory_space<vmem>>, vector<16xf32>,
      tpu.vector_store %arg10[%swap3A_1053], %mul3A_1052 {add = true, strides = array<i32>} : memref<512xf32, #tpu.memory_space<vmem>>, vector<16xf32>,
      %add3A_1055 = arith.constant 384 : i32
      %add3A_1056 = arith.addi %mul3A_785, %add3A_1055 : i32
      %get3A_1057 = arith.index_cast %add3A_1056 : i32 to index
      %get3A_1058 = tpu.vector_load %arg9[%get3A_1057] {strides = array<i32>} : memref<13312xf32, #tpu.memory_space<vmem>>, vector<16xf32>,
      %add3A_1059 = arith.constant 384 : i32
      %add3A_1060 = arith.addi %mul3A_785, %add3A_1059 : i32
      %get3A_1061 = arith.index_cast %add3A_1060 : i32 to index
      %get3A_1062 = tpu.vector_load %arg8[%get3A_1061] {strides = array<i32>} : memref<13312xf32, #tpu.memory_space<vmem>>, vector<16xf32>,
      %mul3A_1063 = arith.mulf %get3A_1058, %get3A_1062 : vector<16xf32>
      %swap3A_1064 = arith.constant 384 : index
      %swap3A_1065 = tpu.vector_load %arg10[%swap3A_1064] {strides = array<i32>} : memref<512xf32, #tpu.memory_space<vmem>>, vector<16xf32>,
      tpu.vector_store %arg10[%swap3A_1064], %mul3A_1063 {add = true, strides = array<i32>} : memref<512xf32, #tpu.memory_space<vmem>>, vector<16xf32>,
      %add3A_1066 = arith.constant 400 : i32
      %add3A_1067 = arith.addi %mul3A_785, %add3A_1066 : i32
      %get3A_1068 = arith.index_cast %add3A_1067 : i32 to index
      %get3A_1069 = tpu.vector_load %arg9[%get3A_1068] {strides = array<i32>} : memref<13312xf32, #tpu.memory_space<vmem>>, vector<16xf32>,
      %add3A_1070 = arith.constant 400 : i32
      %add3A_1071 = arith.addi %mul3A_785, %add3A_1070 : i32
      %get3A_1072 = arith.index_cast %add3A_1071 : i32 to index
      %get3A_1073 = tpu.vector_load %arg8[%get3A_1072] {strides = array<i32>} : memref<13312xf32, #tpu.memory_space<vmem>>, vector<16xf32>,
      %mul3A_1074 = arith.mulf %get3A_1069, %get3A_1073 : vector<16xf32>
      %swap3A_1075 = arith.constant 400 : index
      %swap3A_1076 = tpu.vector_load %arg10[%swap3A_1075] {strides = array<i32>} : memref<512xf32, #tpu.memory_space<vmem>>, vector<16xf32>,
      tpu.vector_store %arg10[%swap3A_1075], %mul3A_1074 {add = true, strides = array<i32>} : memref<512xf32, #tpu.memory_space<vmem>>, vector<16xf32>,
      %add3A_1077 = arith.constant 416 : i32
      %add3A_1078 = arith.addi %mul3A_785, %add3A_1077 : i32
      %get3A_1079 = arith.index_cast %add3A_1078 : i32 to index
      %get3A_1080 = tpu.vector_load %arg9[%get3A_1079] {strides = array<i32>} : memref<13312xf32, #tpu.memory_space<vmem>>, vector<16xf32>,
      %add3A_1081 = arith.constant 416 : i32
      %add3A_1082 = arith.addi %mul3A_785, %add3A_1081 : i32
      %get3A_1083 = arith.index_cast %add3A_1082 : i32 to index
      %get3A_1084 = tpu.vector_load %arg8[%get3A_1083] {strides = array<i32>} : memref<13312xf32, #tpu.memory_space<vmem>>, vector<16xf32>,
      %mul3A_1085 = arith.mulf %get3A_1080, %get3A_1084 : vector<16xf32>
      %swap3A_1086 = arith.constant 416 : index
      %swap3A_1087 = tpu.vector_load %arg10[%swap3A_1086] {strides = array<i32>} : memref<512xf32, #tpu.memory_space<vmem>>, vector<16xf32>,
      tpu.vector_store %arg10[%swap3A_1086], %mul3A_1085 {add = true, strides = array<i32>} : memref<512xf32, #tpu.memory_space<vmem>>, vector<16xf32>,
      %add3A_1088 = arith.constant 432 : i32
      %add3A_1089 = arith.addi %mul3A_785, %add3A_1088 : i32
      %get3A_1090 = arith.index_cast %add3A_1089 : i32 to index
      %get3A_1091 = tpu.vector_load %arg9[%get3A_1090] {strides = array<i32>} : memref<13312xf32, #tpu.memory_space<vmem>>, vector<16xf32>,
      %add3A_1092 = arith.constant 432 : i32
      %add3A_1093 = arith.addi %mul3A_785, %add3A_1092 : i32
      %get3A_1094 = arith.index_cast %add3A_1093 : i32 to index
      %get3A_1095 = tpu.vector_load %arg8[%get3A_1094] {strides = array<i32>} : memref<13312xf32, #tpu.memory_space<vmem>>, vector<16xf32>,
      %mul3A_1096 = arith.mulf %get3A_1091, %get3A_1095 : vector<16xf32>
      %swap3A_1097 = arith.constant 432 : index
      %swap3A_1098 = tpu.vector_load %arg10[%swap3A_1097] {strides = array<i32>} : memref<512xf32, #tpu.memory_space<vmem>>, vector<16xf32>,
      tpu.vector_store %arg10[%swap3A_1097], %mul3A_1096 {add = true, strides = array<i32>} : memref<512xf32, #tpu.memory_space<vmem>>, vector<16xf32>,
      %add3A_1099 = arith.constant 448 : i32
      %add3A_1100 = arith.addi %mul3A_785, %add3A_1099 : i32
      %get3A_1101 = arith.index_cast %add3A_1100 : i32 to index
      %get3A_1102 = tpu.vector_load %arg9[%get3A_1101] {strides = array<i32>} : memref<13312xf32, #tpu.memory_space<vmem>>, vector<16xf32>,
      %add3A_1103 = arith.constant 448 : i32
      %add3A_1104 = arith.addi %mul3A_785, %add3A_1103 : i32
      %get3A_1105 = arith.index_cast %add3A_1104 : i32 to index
      %get3A_1106 = tpu.vector_load %arg8[%get3A_1105] {strides = array<i32>} : memref<13312xf32, #tpu.memory_space<vmem>>, vector<16xf32>,
      %mul3A_1107 = arith.mulf %get3A_1102, %get3A_1106 : vector<16xf32>
      %swap3A_1108 = arith.constant 448 : index
      %swap3A_1109 = tpu.vector_load %arg10[%swap3A_1108] {strides = array<i32>} : memref<512xf32, #tpu.memory_space<vmem>>, vector<16xf32>,
      tpu.vector_store %arg10[%swap3A_1108], %mul3A_1107 {add = true, strides = array<i32>} : memref<512xf32, #tpu.memory_space<vmem>>, vector<16xf32>,
      %add3A_1110 = arith.constant 464 : i32
      %add3A_1111 = arith.addi %mul3A_785, %add3A_1110 : i32
      %get3A_1112 = arith.index_cast %add3A_1111 : i32 to index
      %get3A_1113 = tpu.vector_load %arg9[%get3A_1112] {strides = array<i32>} : memref<13312xf32, #tpu.memory_space<vmem>>, vector<16xf32>,
      %add3A_1114 = arith.constant 464 : i32
      %add3A_1115 = arith.addi %mul3A_785, %add3A_1114 : i32
      %get3A_1116 = arith.index_cast %add3A_1115 : i32 to index
      %get3A_1117 = tpu.vector_load %arg8[%get3A_1116] {strides = array<i32>} : memref<13312xf32, #tpu.memory_space<vmem>>, vector<16xf32>,
      %mul3A_1118 = arith.mulf %get3A_1113, %get3A_1117 : vector<16xf32>
      %swap3A_1119 = arith.constant 464 : index
      %swap3A_1120 = tpu.vector_load %arg10[%swap3A_1119] {strides = array<i32>} : memref<512xf32, #tpu.memory_space<vmem>>, vector<16xf32>,
      tpu.vector_store %arg10[%swap3A_1119], %mul3A_1118 {add = true, strides = array<i32>} : memref<512xf32, #tpu.memory_space<vmem>>, vector<16xf32>,
      %add3A_1121 = arith.constant 480 : i32
      %add3A_1122 = arith.addi %mul3A_785, %add3A_1121 : i32
      %get3A_1123 = arith.index_cast %add3A_1122 : i32 to index
      %get3A_1124 = tpu.vector_load %arg9[%get3A_1123] {strides = array<i32>} : memref<13312xf32, #tpu.memory_space<vmem>>, vector<16xf32>,
      %add3A_1125 = arith.constant 480 : i32
      %add3A_1126 = arith.addi %mul3A_785, %add3A_1125 : i32
      %get3A_1127 = arith.index_cast %add3A_1126 : i32 to index
      %get3A_1128 = tpu.vector_load %arg8[%get3A_1127] {strides = array<i32>} : memref<13312xf32, #tpu.memory_space<vmem>>, vector<16xf32>,
      %mul3A_1129 = arith.mulf %get3A_1124, %get3A_1128 : vector<16xf32>
      %swap3A_1130 = arith.constant 480 : index
      %swap3A_1131 = tpu.vector_load %arg10[%swap3A_1130] {strides = array<i32>} : memref<512xf32, #tpu.memory_space<vmem>>, vector<16xf32>,
      tpu.vector_store %arg10[%swap3A_1130], %mul3A_1129 {add = true, strides = array<i32>} : memref<512xf32, #tpu.memory_space<vmem>>, vector<16xf32>,
      %add3A_1132 = arith.constant 496 : i32
      %add3A_1133 = arith.addi %mul3A_785, %add3A_1132 : i32
      %get3A_1134 = arith.index_cast %add3A_1133 : i32 to index
      %get3A_1135 = tpu.vector_load %arg9[%get3A_1134] {strides = array<i32>} : memref<13312xf32, #tpu.memory_space<vmem>>, vector<16xf32>,
      %add3A_1136 = arith.constant 496 : i32
      %add3A_1137 = arith.addi %mul3A_785, %add3A_1136 : i32
      %get3A_1138 = arith.index_cast %add3A_1137 : i32 to index
      %get3A_1139 = tpu.vector_load %arg8[%get3A_1138] {strides = array<i32>} : memref<13312xf32, #tpu.memory_space<vmem>>, vector<16xf32>,
      %mul3A_1140 = arith.mulf %get3A_1135, %get3A_1139 : vector<16xf32>
      %swap3A_1141 = arith.constant 496 : index
      %swap3A_1142 = tpu.vector_load %arg10[%swap3A_1141] {strides = array<i32>} : memref<512xf32, #tpu.memory_space<vmem>>, vector<16xf32>,
      tpu.vector_store %arg10[%swap3A_1141], %mul3A_1140 {add = true, strides = array<i32>} : memref<512xf32, #tpu.memory_space<vmem>>, vector<16xf32>,
    }
    %scan3A_302 = arith.constant 26 : i32
    %get3A = arith.constant 0 : index
    %get3A_303 = tpu.vector_load %arg12[%get3A] {strides = array<i32>} : memref<16xf32, #tpu.memory_space<vmem>>, vector<16xf32>,
    %get3A_304 = arith.constant 0 : index
    %get3A_305 = tpu.vector_load %arg10[%get3A_304] {strides = array<i32>} : memref<512xf32, #tpu.memory_space<vmem>>, vector<16xf32>,
    %add3A_306 = arith.addf %get3A_305, %get3A_303 : vector<16xf32>
    %neg3A = arith.constant 0.000000e+00 : f32
    %neg3A_307 = vector.broadcast %neg3A : f32 to vector<16xf32>
    %neg3A_308 = arith.subf %neg3A_307, %add3A_306 : vector<16xf32>
    %exp3A = math.exp %neg3A_308 : vector<16xf32>
    %add3A_309 = arith.constant 1.000000e+00 : f32
    %add3A_310 = vector.broadcast %add3A_309 : f32 to vector<16xf32>
    %add3A_311 = arith.addf %add3A_310, %exp3A : vector<16xf32>
    %div3A = arith.constant 1.000000e+00 : f32
    %div3A_312 = vector.broadcast %div3A : f32 to vector<16xf32>
    %div3A_313 = arith.divf %div3A_312, %add3A_311 : vector<16xf32>
    %swap3A_314 = arith.constant 0 : index
    %swap3A_315 = tpu.vector_load %arg11[%swap3A_314] {strides = array<i32>} : memref<512xf32, #tpu.memory_space<vmem>>, vector<16xf32>,
    tpu.vector_store %arg11[%swap3A_314], %div3A_313 {strides = array<i32>} : memref<512xf32, #tpu.memory_space<vmem>>, vector<16xf32>,
    %get3A_316 = arith.constant 16 : index
    %get3A_317 = tpu.vector_load %arg10[%get3A_316] {strides = array<i32>} : memref<512xf32, #tpu.memory_space<vmem>>, vector<16xf32>,
    %add3A_318 = arith.addf %get3A_317, %get3A_303 : vector<16xf32>
    %neg3A_319 = arith.constant 0.000000e+00 : f32
    %neg3A_320 = vector.broadcast %neg3A_319 : f32 to vector<16xf32>
    %neg3A_321 = arith.subf %neg3A_320, %add3A_318 : vector<16xf32>
    %exp3A_322 = math.exp %neg3A_321 : vector<16xf32>
    %add3A_323 = arith.constant 1.000000e+00 : f32
    %add3A_324 = vector.broadcast %add3A_323 : f32 to vector<16xf32>
    %add3A_325 = arith.addf %add3A_324, %exp3A_322 : vector<16xf32>
    %div3A_326 = arith.constant 1.000000e+00 : f32
    %div3A_327 = vector.broadcast %div3A_326 : f32 to vector<16xf32>
    %div3A_328 = arith.divf %div3A_327, %add3A_325 : vector<16xf32>
    %swap3A_329 = arith.constant 16 : index
    %swap3A_330 = tpu.vector_load %arg11[%swap3A_329] {strides = array<i32>} : memref<512xf32, #tpu.memory_space<vmem>>, vector<16xf32>,
    tpu.vector_store %arg11[%swap3A_329], %div3A_328 {strides = array<i32>} : memref<512xf32, #tpu.memory_space<vmem>>, vector<16xf32>,
    %get3A_331 = arith.constant 32 : index
    %get3A_332 = tpu.vector_load %arg10[%get3A_331] {strides = array<i32>} : memref<512xf32, #tpu.memory_space<vmem>>, vector<16xf32>,
    %add3A_333 = arith.addf %get3A_332, %get3A_303 : vector<16xf32>
    %neg3A_334 = arith.constant 0.000000e+00 : f32
    %neg3A_335 = vector.broadcast %neg3A_334 : f32 to vector<16xf32>
    %neg3A_336 = arith.subf %neg3A_335, %add3A_333 : vector<16xf32>
    %exp3A_337 = math.exp %neg3A_336 : vector<16xf32>
    %add3A_338 = arith.constant 1.000000e+00 : f32
    %add3A_339 = vector.broadcast %add3A_338 : f32 to vector<16xf32>
    %add3A_340 = arith.addf %add3A_339, %exp3A_337 : vector<16xf32>
    %div3A_341 = arith.constant 1.000000e+00 : f32
    %div3A_342 = vector.broadcast %div3A_341 : f32 to vector<16xf32>
    %div3A_343 = arith.divf %div3A_342, %add3A_340 : vector<16xf32>
    %swap3A_344 = arith.constant 32 : index
    %swap3A_345 = tpu.vector_load %arg11[%swap3A_344] {strides = array<i32>} : memref<512xf32, #tpu.memory_space<vmem>>, vector<16xf32>,
    tpu.vector_store %arg11[%swap3A_344], %div3A_343 {strides = array<i32>} : memref<512xf32, #tpu.memory_space<vmem>>, vector<16xf32>,
    %get3A_346 = arith.constant 48 : index
    %get3A_347 = tpu.vector_load %arg10[%get3A_346] {strides = array<i32>} : memref<512xf32, #tpu.memory_space<vmem>>, vector<16xf32>,
    %add3A_348 = arith.addf %get3A_347, %get3A_303 : vector<16xf32>
    %neg3A_349 = arith.constant 0.000000e+00 : f32
    %neg3A_350 = vector.broadcast %neg3A_349 : f32 to vector<16xf32>
    %neg3A_351 = arith.subf %neg3A_350, %add3A_348 : vector<16xf32>
    %exp3A_352 = math.exp %neg3A_351 : vector<16xf32>
    %add3A_353 = arith.constant 1.000000e+00 : f32
    %add3A_354 = vector.broadcast %add3A_353 : f32 to vector<16xf32>
    %add3A_355 = arith.addf %add3A_354, %exp3A_352 : vector<16xf32>
    %div3A_356 = arith.constant 1.000000e+00 : f32
    %div3A_357 = vector.broadcast %div3A_356 : f32 to vector<16xf32>
    %div3A_358 = arith.divf %div3A_357, %add3A_355 : vector<16xf32>
    %swap3A_359 = arith.constant 48 : index
    %swap3A_360 = tpu.vector_load %arg11[%swap3A_359] {strides = array<i32>} : memref<512xf32, #tpu.memory_space<vmem>>, vector<16xf32>,
    tpu.vector_store %arg11[%swap3A_359], %div3A_358 {strides = array<i32>} : memref<512xf32, #tpu.memory_space<vmem>>, vector<16xf32>,
    %get3A_361 = arith.constant 64 : index
    %get3A_362 = tpu.vector_load %arg10[%get3A_361] {strides = array<i32>} : memref<512xf32, #tpu.memory_space<vmem>>, vector<16xf32>,
    %add3A_363 = arith.addf %get3A_362, %get3A_303 : vector<16xf32>
    %neg3A_364 = arith.constant 0.000000e+00 : f32
    %neg3A_365 = vector.broadcast %neg3A_364 : f32 to vector<16xf32>
    %neg3A_366 = arith.subf %neg3A_365, %add3A_363 : vector<16xf32>
    %exp3A_367 = math.exp %neg3A_366 : vector<16xf32>
    %add3A_368 = arith.constant 1.000000e+00 : f32
    %add3A_369 = vector.broadcast %add3A_368 : f32 to vector<16xf32>
    %add3A_370 = arith.addf %add3A_369, %exp3A_367 : vector<16xf32>
    %div3A_371 = arith.constant 1.000000e+00 : f32
    %div3A_372 = vector.broadcast %div3A_371 : f32 to vector<16xf32>
    %div3A_373 = arith.divf %div3A_372, %add3A_370 : vector<16xf32>
    %swap3A_374 = arith.constant 64 : index
    %swap3A_375 = tpu.vector_load %arg11[%swap3A_374] {strides = array<i32>} : memref<512xf32, #tpu.memory_space<vmem>>, vector<16xf32>,
    tpu.vector_store %arg11[%swap3A_374], %div3A_373 {strides = array<i32>} : memref<512xf32, #tpu.memory_space<vmem>>, vector<16xf32>,
    %get3A_376 = arith.constant 80 : index
    %get3A_377 = tpu.vector_load %arg10[%get3A_376] {strides = array<i32>} : memref<512xf32, #tpu.memory_space<vmem>>, vector<16xf32>,
    %add3A_378 = arith.addf %get3A_377, %get3A_303 : vector<16xf32>
    %neg3A_379 = arith.constant 0.000000e+00 : f32
    %neg3A_380 = vector.broadcast %neg3A_379 : f32 to vector<16xf32>
    %neg3A_381 = arith.subf %neg3A_380, %add3A_378 : vector<16xf32>
    %exp3A_382 = math.exp %neg3A_381 : vector<16xf32>
    %add3A_383 = arith.constant 1.000000e+00 : f32
    %add3A_384 = vector.broadcast %add3A_383 : f32 to vector<16xf32>
    %add3A_385 = arith.addf %add3A_384, %exp3A_382 : vector<16xf32>
    %div3A_386 = arith.constant 1.000000e+00 : f32
    %div3A_387 = vector.broadcast %div3A_386 : f32 to vector<16xf32>
    %div3A_388 = arith.divf %div3A_387, %add3A_385 : vector<16xf32>
    %swap3A_389 = arith.constant 80 : index
    %swap3A_390 = tpu.vector_load %arg11[%swap3A_389] {strides = array<i32>} : memref<512xf32, #tpu.memory_space<vmem>>, vector<16xf32>,
    tpu.vector_store %arg11[%swap3A_389], %div3A_388 {strides = array<i32>} : memref<512xf32, #tpu.memory_space<vmem>>, vector<16xf32>,
    %get3A_391 = arith.constant 96 : index
    %get3A_392 = tpu.vector_load %arg10[%get3A_391] {strides = array<i32>} : memref<512xf32, #tpu.memory_space<vmem>>, vector<16xf32>,
    %add3A_393 = arith.addf %get3A_392, %get3A_303 : vector<16xf32>
    %neg3A_394 = arith.constant 0.000000e+00 : f32
    %neg3A_395 = vector.broadcast %neg3A_394 : f32 to vector<16xf32>
    %neg3A_396 = arith.subf %neg3A_395, %add3A_393 : vector<16xf32>
    %exp3A_397 = math.exp %neg3A_396 : vector<16xf32>
    %add3A_398 = arith.constant 1.000000e+00 : f32
    %add3A_399 = vector.broadcast %add3A_398 : f32 to vector<16xf32>
    %add3A_400 = arith.addf %add3A_399, %exp3A_397 : vector<16xf32>
    %div3A_401 = arith.constant 1.000000e+00 : f32
    %div3A_402 = vector.broadcast %div3A_401 : f32 to vector<16xf32>
    %div3A_403 = arith.divf %div3A_402, %add3A_400 : vector<16xf32>
    %swap3A_404 = arith.constant 96 : index
    %swap3A_405 = tpu.vector_load %arg11[%swap3A_404] {strides = array<i32>} : memref<512xf32, #tpu.memory_space<vmem>>, vector<16xf32>,
    tpu.vector_store %arg11[%swap3A_404], %div3A_403 {strides = array<i32>} : memref<512xf32, #tpu.memory_space<vmem>>, vector<16xf32>,
    %get3A_406 = arith.constant 112 : index
    %get3A_407 = tpu.vector_load %arg10[%get3A_406] {strides = array<i32>} : memref<512xf32, #tpu.memory_space<vmem>>, vector<16xf32>,
    %add3A_408 = arith.addf %get3A_407, %get3A_303 : vector<16xf32>
    %neg3A_409 = arith.constant 0.000000e+00 : f32
    %neg3A_410 = vector.broadcast %neg3A_409 : f32 to vector<16xf32>
    %neg3A_411 = arith.subf %neg3A_410, %add3A_408 : vector<16xf32>
    %exp3A_412 = math.exp %neg3A_411 : vector<16xf32>
    %add3A_413 = arith.constant 1.000000e+00 : f32
    %add3A_414 = vector.broadcast %add3A_413 : f32 to vector<16xf32>
    %add3A_415 = arith.addf %add3A_414, %exp3A_412 : vector<16xf32>
    %div3A_416 = arith.constant 1.000000e+00 : f32
    %div3A_417 = vector.broadcast %div3A_416 : f32 to vector<16xf32>
    %div3A_418 = arith.divf %div3A_417, %add3A_415 : vector<16xf32>
    %swap3A_419 = arith.constant 112 : index
    %swap3A_420 = tpu.vector_load %arg11[%swap3A_419] {strides = array<i32>} : memref<512xf32, #tpu.memory_space<vmem>>, vector<16xf32>,
    tpu.vector_store %arg11[%swap3A_419], %div3A_418 {strides = array<i32>} : memref<512xf32, #tpu.memory_space<vmem>>, vector<16xf32>,
    %get3A_421 = arith.constant 128 : index
    %get3A_422 = tpu.vector_load %arg10[%get3A_421] {strides = array<i32>} : memref<512xf32, #tpu.memory_space<vmem>>, vector<16xf32>,
    %add3A_423 = arith.addf %get3A_422, %get3A_303 : vector<16xf32>
    %neg3A_424 = arith.constant 0.000000e+00 : f32
    %neg3A_425 = vector.broadcast %neg3A_424 : f32 to vector<16xf32>
    %neg3A_426 = arith.subf %neg3A_425, %add3A_423 : vector<16xf32>
    %exp3A_427 = math.exp %neg3A_426 : vector<16xf32>
    %add3A_428 = arith.constant 1.000000e+00 : f32
    %add3A_429 = vector.broadcast %add3A_428 : f32 to vector<16xf32>
    %add3A_430 = arith.addf %add3A_429, %exp3A_427 : vector<16xf32>
    %div3A_431 = arith.constant 1.000000e+00 : f32
    %div3A_432 = vector.broadcast %div3A_431 : f32 to vector<16xf32>
    %div3A_433 = arith.divf %div3A_432, %add3A_430 : vector<16xf32>
    %swap3A_434 = arith.constant 128 : index
    %swap3A_435 = tpu.vector_load %arg11[%swap3A_434] {strides = array<i32>} : memref<512xf32, #tpu.memory_space<vmem>>, vector<16xf32>,
    tpu.vector_store %arg11[%swap3A_434], %div3A_433 {strides = array<i32>} : memref<512xf32, #tpu.memory_space<vmem>>, vector<16xf32>,
    %get3A_436 = arith.constant 144 : index
    %get3A_437 = tpu.vector_load %arg10[%get3A_436] {strides = array<i32>} : memref<512xf32, #tpu.memory_space<vmem>>, vector<16xf32>,
    %add3A_438 = arith.addf %get3A_437, %get3A_303 : vector<16xf32>
    %neg3A_439 = arith.constant 0.000000e+00 : f32
    %neg3A_440 = vector.broadcast %neg3A_439 : f32 to vector<16xf32>
    %neg3A_441 = arith.subf %neg3A_440, %add3A_438 : vector<16xf32>
    %exp3A_442 = math.exp %neg3A_441 : vector<16xf32>
    %add3A_443 = arith.constant 1.000000e+00 : f32
    %add3A_444 = vector.broadcast %add3A_443 : f32 to vector<16xf32>
    %add3A_445 = arith.addf %add3A_444, %exp3A_442 : vector<16xf32>
    %div3A_446 = arith.constant 1.000000e+00 : f32
    %div3A_447 = vector.broadcast %div3A_446 : f32 to vector<16xf32>
    %div3A_448 = arith.divf %div3A_447, %add3A_445 : vector<16xf32>
    %swap3A_449 = arith.constant 144 : index
    %swap3A_450 = tpu.vector_load %arg11[%swap3A_449] {strides = array<i32>} : memref<512xf32, #tpu.memory_space<vmem>>, vector<16xf32>,
    tpu.vector_store %arg11[%swap3A_449], %div3A_448 {strides = array<i32>} : memref<512xf32, #tpu.memory_space<vmem>>, vector<16xf32>,
    %get3A_451 = arith.constant 160 : index
    %get3A_452 = tpu.vector_load %arg10[%get3A_451] {strides = array<i32>} : memref<512xf32, #tpu.memory_space<vmem>>, vector<16xf32>,
    %add3A_453 = arith.addf %get3A_452, %get3A_303 : vector<16xf32>
    %neg3A_454 = arith.constant 0.000000e+00 : f32
    %neg3A_455 = vector.broadcast %neg3A_454 : f32 to vector<16xf32>
    %neg3A_456 = arith.subf %neg3A_455, %add3A_453 : vector<16xf32>
    %exp3A_457 = math.exp %neg3A_456 : vector<16xf32>
    %add3A_458 = arith.constant 1.000000e+00 : f32
    %add3A_459 = vector.broadcast %add3A_458 : f32 to vector<16xf32>
    %add3A_460 = arith.addf %add3A_459, %exp3A_457 : vector<16xf32>
    %div3A_461 = arith.constant 1.000000e+00 : f32
    %div3A_462 = vector.broadcast %div3A_461 : f32 to vector<16xf32>
    %div3A_463 = arith.divf %div3A_462, %add3A_460 : vector<16xf32>
    %swap3A_464 = arith.constant 160 : index
    %swap3A_465 = tpu.vector_load %arg11[%swap3A_464] {strides = array<i32>} : memref<512xf32, #tpu.memory_space<vmem>>, vector<16xf32>,
    tpu.vector_store %arg11[%swap3A_464], %div3A_463 {strides = array<i32>} : memref<512xf32, #tpu.memory_space<vmem>>, vector<16xf32>,
    %get3A_466 = arith.constant 176 : index
    %get3A_467 = tpu.vector_load %arg10[%get3A_466] {strides = array<i32>} : memref<512xf32, #tpu.memory_space<vmem>>, vector<16xf32>,
    %add3A_468 = arith.addf %get3A_467, %get3A_303 : vector<16xf32>
    %neg3A_469 = arith.constant 0.000000e+00 : f32
    %neg3A_470 = vector.broadcast %neg3A_469 : f32 to vector<16xf32>
    %neg3A_471 = arith.subf %neg3A_470, %add3A_468 : vector<16xf32>
    %exp3A_472 = math.exp %neg3A_471 : vector<16xf32>
    %add3A_473 = arith.constant 1.000000e+00 : f32
    %add3A_474 = vector.broadcast %add3A_473 : f32 to vector<16xf32>
    %add3A_475 = arith.addf %add3A_474, %exp3A_472 : vector<16xf32>
    %div3A_476 = arith.constant 1.000000e+00 : f32
    %div3A_477 = vector.broadcast %div3A_476 : f32 to vector<16xf32>
    %div3A_478 = arith.divf %div3A_477, %add3A_475 : vector<16xf32>
    %swap3A_479 = arith.constant 176 : index
    %swap3A_480 = tpu.vector_load %arg11[%swap3A_479] {strides = array<i32>} : memref<512xf32, #tpu.memory_space<vmem>>, vector<16xf32>,
    tpu.vector_store %arg11[%swap3A_479], %div3A_478 {strides = array<i32>} : memref<512xf32, #tpu.memory_space<vmem>>, vector<16xf32>,
    %get3A_481 = arith.constant 192 : index
    %get3A_482 = tpu.vector_load %arg10[%get3A_481] {strides = array<i32>} : memref<512xf32, #tpu.memory_space<vmem>>, vector<16xf32>,
    %add3A_483 = arith.addf %get3A_482, %get3A_303 : vector<16xf32>
    %neg3A_484 = arith.constant 0.000000e+00 : f32
    %neg3A_485 = vector.broadcast %neg3A_484 : f32 to vector<16xf32>
    %neg3A_486 = arith.subf %neg3A_485, %add3A_483 : vector<16xf32>
    %exp3A_487 = math.exp %neg3A_486 : vector<16xf32>
    %add3A_488 = arith.constant 1.000000e+00 : f32
    %add3A_489 = vector.broadcast %add3A_488 : f32 to vector<16xf32>
    %add3A_490 = arith.addf %add3A_489, %exp3A_487 : vector<16xf32>
    %div3A_491 = arith.constant 1.000000e+00 : f32
    %div3A_492 = vector.broadcast %div3A_491 : f32 to vector<16xf32>
    %div3A_493 = arith.divf %div3A_492, %add3A_490 : vector<16xf32>
    %swap3A_494 = arith.constant 192 : index
    %swap3A_495 = tpu.vector_load %arg11[%swap3A_494] {strides = array<i32>} : memref<512xf32, #tpu.memory_space<vmem>>, vector<16xf32>,
    tpu.vector_store %arg11[%swap3A_494], %div3A_493 {strides = array<i32>} : memref<512xf32, #tpu.memory_space<vmem>>, vector<16xf32>,
    %get3A_496 = arith.constant 208 : index
    %get3A_497 = tpu.vector_load %arg10[%get3A_496] {strides = array<i32>} : memref<512xf32, #tpu.memory_space<vmem>>, vector<16xf32>,
    %add3A_498 = arith.addf %get3A_497, %get3A_303 : vector<16xf32>
    %neg3A_499 = arith.constant 0.000000e+00 : f32
    %neg3A_500 = vector.broadcast %neg3A_499 : f32 to vector<16xf32>
    %neg3A_501 = arith.subf %neg3A_500, %add3A_498 : vector<16xf32>
    %exp3A_502 = math.exp %neg3A_501 : vector<16xf32>
    %add3A_503 = arith.constant 1.000000e+00 : f32
    %add3A_504 = vector.broadcast %add3A_503 : f32 to vector<16xf32>
    %add3A_505 = arith.addf %add3A_504, %exp3A_502 : vector<16xf32>
    %div3A_506 = arith.constant 1.000000e+00 : f32
    %div3A_507 = vector.broadcast %div3A_506 : f32 to vector<16xf32>
    %div3A_508 = arith.divf %div3A_507, %add3A_505 : vector<16xf32>
    %swap3A_509 = arith.constant 208 : index
    %swap3A_510 = tpu.vector_load %arg11[%swap3A_509] {strides = array<i32>} : memref<512xf32, #tpu.memory_space<vmem>>, vector<16xf32>,
    tpu.vector_store %arg11[%swap3A_509], %div3A_508 {strides = array<i32>} : memref<512xf32, #tpu.memory_space<vmem>>, vector<16xf32>,
    %get3A_511 = arith.constant 224 : index
    %get3A_512 = tpu.vector_load %arg10[%get3A_511] {strides = array<i32>} : memref<512xf32, #tpu.memory_space<vmem>>, vector<16xf32>,
    %add3A_513 = arith.addf %get3A_512, %get3A_303 : vector<16xf32>
    %neg3A_514 = arith.constant 0.000000e+00 : f32
    %neg3A_515 = vector.broadcast %neg3A_514 : f32 to vector<16xf32>
    %neg3A_516 = arith.subf %neg3A_515, %add3A_513 : vector<16xf32>
    %exp3A_517 = math.exp %neg3A_516 : vector<16xf32>
    %add3A_518 = arith.constant 1.000000e+00 : f32
    %add3A_519 = vector.broadcast %add3A_518 : f32 to vector<16xf32>
    %add3A_520 = arith.addf %add3A_519, %exp3A_517 : vector<16xf32>
    %div3A_521 = arith.constant 1.000000e+00 : f32
    %div3A_522 = vector.broadcast %div3A_521 : f32 to vector<16xf32>
    %div3A_523 = arith.divf %div3A_522, %add3A_520 : vector<16xf32>
    %swap3A_524 = arith.constant 224 : index
    %swap3A_525 = tpu.vector_load %arg11[%swap3A_524] {strides = array<i32>} : memref<512xf32, #tpu.memory_space<vmem>>, vector<16xf32>,
    tpu.vector_store %arg11[%swap3A_524], %div3A_523 {strides = array<i32>} : memref<512xf32, #tpu.memory_space<vmem>>, vector<16xf32>,
    %get3A_526 = arith.constant 240 : index
    %get3A_527 = tpu.vector_load %arg10[%get3A_526] {strides = array<i32>} : memref<512xf32, #tpu.memory_space<vmem>>, vector<16xf32>,
    %add3A_528 = arith.addf %get3A_527, %get3A_303 : vector<16xf32>
    %neg3A_529 = arith.constant 0.000000e+00 : f32
    %neg3A_530 = vector.broadcast %neg3A_529 : f32 to vector<16xf32>
    %neg3A_531 = arith.subf %neg3A_530, %add3A_528 : vector<16xf32>
    %exp3A_532 = math.exp %neg3A_531 : vector<16xf32>
    %add3A_533 = arith.constant 1.000000e+00 : f32
    %add3A_534 = vector.broadcast %add3A_533 : f32 to vector<16xf32>
    %add3A_535 = arith.addf %add3A_534, %exp3A_532 : vector<16xf32>
    %div3A_536 = arith.constant 1.000000e+00 : f32
    %div3A_537 = vector.broadcast %div3A_536 : f32 to vector<16xf32>
    %div3A_538 = arith.divf %div3A_537, %add3A_535 : vector<16xf32>
    %swap3A_539 = arith.constant 240 : index
    %swap3A_540 = tpu.vector_load %arg11[%swap3A_539] {strides = array<i32>} : memref<512xf32, #tpu.memory_space<vmem>>, vector<16xf32>,
    tpu.vector_store %arg11[%swap3A_539], %div3A_538 {strides = array<i32>} : memref<512xf32, #tpu.memory_space<vmem>>, vector<16xf32>,
    %get3A_541 = arith.constant 256 : index
    %get3A_542 = tpu.vector_load %arg10[%get3A_541] {strides = array<i32>} : memref<512xf32, #tpu.memory_space<vmem>>, vector<16xf32>,
    %add3A_543 = arith.addf %get3A_542, %get3A_303 : vector<16xf32>
    %neg3A_544 = arith.constant 0.000000e+00 : f32
    %neg3A_545 = vector.broadcast %neg3A_544 : f32 to vector<16xf32>
    %neg3A_546 = arith.subf %neg3A_545, %add3A_543 : vector<16xf32>
    %exp3A_547 = math.exp %neg3A_546 : vector<16xf32>
    %add3A_548 = arith.constant 1.000000e+00 : f32
    %add3A_549 = vector.broadcast %add3A_548 : f32 to vector<16xf32>
    %add3A_550 = arith.addf %add3A_549, %exp3A_547 : vector<16xf32>
    %div3A_551 = arith.constant 1.000000e+00 : f32
    %div3A_552 = vector.broadcast %div3A_551 : f32 to vector<16xf32>
    %div3A_553 = arith.divf %div3A_552, %add3A_550 : vector<16xf32>
    %swap3A_554 = arith.constant 256 : index
    %swap3A_555 = tpu.vector_load %arg11[%swap3A_554] {strides = array<i32>} : memref<512xf32, #tpu.memory_space<vmem>>, vector<16xf32>,
    tpu.vector_store %arg11[%swap3A_554], %div3A_553 {strides = array<i32>} : memref<512xf32, #tpu.memory_space<vmem>>, vector<16xf32>,
    %get3A_556 = arith.constant 272 : index
    %get3A_557 = tpu.vector_load %arg10[%get3A_556] {strides = array<i32>} : memref<512xf32, #tpu.memory_space<vmem>>, vector<16xf32>,
    %add3A_558 = arith.addf %get3A_557, %get3A_303 : vector<16xf32>
    %neg3A_559 = arith.constant 0.000000e+00 : f32
    %neg3A_560 = vector.broadcast %neg3A_559 : f32 to vector<16xf32>
    %neg3A_561 = arith.subf %neg3A_560, %add3A_558 : vector<16xf32>
    %exp3A_562 = math.exp %neg3A_561 : vector<16xf32>
    %add3A_563 = arith.constant 1.000000e+00 : f32
    %add3A_564 = vector.broadcast %add3A_563 : f32 to vector<16xf32>
    %add3A_565 = arith.addf %add3A_564, %exp3A_562 : vector<16xf32>
    %div3A_566 = arith.constant 1.000000e+00 : f32
    %div3A_567 = vector.broadcast %div3A_566 : f32 to vector<16xf32>
    %div3A_568 = arith.divf %div3A_567, %add3A_565 : vector<16xf32>
    %swap3A_569 = arith.constant 272 : index
    %swap3A_570 = tpu.vector_load %arg11[%swap3A_569] {strides = array<i32>} : memref<512xf32, #tpu.memory_space<vmem>>, vector<16xf32>,
    tpu.vector_store %arg11[%swap3A_569], %div3A_568 {strides = array<i32>} : memref<512xf32, #tpu.memory_space<vmem>>, vector<16xf32>,
    %get3A_571 = arith.constant 288 : index
    %get3A_572 = tpu.vector_load %arg10[%get3A_571] {strides = array<i32>} : memref<512xf32, #tpu.memory_space<vmem>>, vector<16xf32>,
    %add3A_573 = arith.addf %get3A_572, %get3A_303 : vector<16xf32>
    %neg3A_574 = arith.constant 0.000000e+00 : f32
    %neg3A_575 = vector.broadcast %neg3A_574 : f32 to vector<16xf32>
    %neg3A_576 = arith.subf %neg3A_575, %add3A_573 : vector<16xf32>
    %exp3A_577 = math.exp %neg3A_576 : vector<16xf32>
    %add3A_578 = arith.constant 1.000000e+00 : f32
    %add3A_579 = vector.broadcast %add3A_578 : f32 to vector<16xf32>
    %add3A_580 = arith.addf %add3A_579, %exp3A_577 : vector<16xf32>
    %div3A_581 = arith.constant 1.000000e+00 : f32
    %div3A_582 = vector.broadcast %div3A_581 : f32 to vector<16xf32>
    %div3A_583 = arith.divf %div3A_582, %add3A_580 : vector<16xf32>
    %swap3A_584 = arith.constant 288 : index
    %swap3A_585 = tpu.vector_load %arg11[%swap3A_584] {strides = array<i32>} : memref<512xf32, #tpu.memory_space<vmem>>, vector<16xf32>,
    tpu.vector_store %arg11[%swap3A_584], %div3A_583 {strides = array<i32>} : memref<512xf32, #tpu.memory_space<vmem>>, vector<16xf32>,
    %get3A_586 = arith.constant 304 : index
    %get3A_587 = tpu.vector_load %arg10[%get3A_586] {strides = array<i32>} : memref<512xf32, #tpu.memory_space<vmem>>, vector<16xf32>,
    %add3A_588 = arith.addf %get3A_587, %get3A_303 : vector<16xf32>
    %neg3A_589 = arith.constant 0.000000e+00 : f32
    %neg3A_590 = vector.broadcast %neg3A_589 : f32 to vector<16xf32>
    %neg3A_591 = arith.subf %neg3A_590, %add3A_588 : vector<16xf32>
    %exp3A_592 = math.exp %neg3A_591 : vector<16xf32>
    %add3A_593 = arith.constant 1.000000e+00 : f32
    %add3A_594 = vector.broadcast %add3A_593 : f32 to vector<16xf32>
    %add3A_595 = arith.addf %add3A_594, %exp3A_592 : vector<16xf32>
    %div3A_596 = arith.constant 1.000000e+00 : f32
    %div3A_597 = vector.broadcast %div3A_596 : f32 to vector<16xf32>
    %div3A_598 = arith.divf %div3A_597, %add3A_595 : vector<16xf32>
    %swap3A_599 = arith.constant 304 : index
    %swap3A_600 = tpu.vector_load %arg11[%swap3A_599] {strides = array<i32>} : memref<512xf32, #tpu.memory_space<vmem>>, vector<16xf32>,
    tpu.vector_store %arg11[%swap3A_599], %div3A_598 {strides = array<i32>} : memref<512xf32, #tpu.memory_space<vmem>>, vector<16xf32>,
    %get3A_601 = arith.constant 320 : index
    %get3A_602 = tpu.vector_load %arg10[%get3A_601] {strides = array<i32>} : memref<512xf32, #tpu.memory_space<vmem>>, vector<16xf32>,
    %add3A_603 = arith.addf %get3A_602, %get3A_303 : vector<16xf32>
    %neg3A_604 = arith.constant 0.000000e+00 : f32
    %neg3A_605 = vector.broadcast %neg3A_604 : f32 to vector<16xf32>
    %neg3A_606 = arith.subf %neg3A_605, %add3A_603 : vector<16xf32>
    %exp3A_607 = math.exp %neg3A_606 : vector<16xf32>
    %add3A_608 = arith.constant 1.000000e+00 : f32
    %add3A_609 = vector.broadcast %add3A_608 : f32 to vector<16xf32>
    %add3A_610 = arith.addf %add3A_609, %exp3A_607 : vector<16xf32>
    %div3A_611 = arith.constant 1.000000e+00 : f32
    %div3A_612 = vector.broadcast %div3A_611 : f32 to vector<16xf32>
    %div3A_613 = arith.divf %div3A_612, %add3A_610 : vector<16xf32>
    %swap3A_614 = arith.constant 320 : index
    %swap3A_615 = tpu.vector_load %arg11[%swap3A_614] {strides = array<i32>} : memref<512xf32, #tpu.memory_space<vmem>>, vector<16xf32>,
    tpu.vector_store %arg11[%swap3A_614], %div3A_613 {strides = array<i32>} : memref<512xf32, #tpu.memory_space<vmem>>, vector<16xf32>,
    %get3A_616 = arith.constant 336 : index
    %get3A_617 = tpu.vector_load %arg10[%get3A_616] {strides = array<i32>} : memref<512xf32, #tpu.memory_space<vmem>>, vector<16xf32>,
    %add3A_618 = arith.addf %get3A_617, %get3A_303 : vector<16xf32>
    %neg3A_619 = arith.constant 0.000000e+00 : f32
    %neg3A_620 = vector.broadcast %neg3A_619 : f32 to vector<16xf32>
    %neg3A_621 = arith.subf %neg3A_620, %add3A_618 : vector<16xf32>
    %exp3A_622 = math.exp %neg3A_621 : vector<16xf32>
    %add3A_623 = arith.constant 1.000000e+00 : f32
    %add3A_624 = vector.broadcast %add3A_623 : f32 to vector<16xf32>
    %add3A_625 = arith.addf %add3A_624, %exp3A_622 : vector<16xf32>
    %div3A_626 = arith.constant 1.000000e+00 : f32
    %div3A_627 = vector.broadcast %div3A_626 : f32 to vector<16xf32>
    %div3A_628 = arith.divf %div3A_627, %add3A_625 : vector<16xf32>
    %swap3A_629 = arith.constant 336 : index
    %swap3A_630 = tpu.vector_load %arg11[%swap3A_629] {strides = array<i32>} : memref<512xf32, #tpu.memory_space<vmem>>, vector<16xf32>,
    tpu.vector_store %arg11[%swap3A_629], %div3A_628 {strides = array<i32>} : memref<512xf32, #tpu.memory_space<vmem>>, vector<16xf32>,
    %get3A_631 = arith.constant 352 : index
    %get3A_632 = tpu.vector_load %arg10[%get3A_631] {strides = array<i32>} : memref<512xf32, #tpu.memory_space<vmem>>, vector<16xf32>,
    %add3A_633 = arith.addf %get3A_632, %get3A_303 : vector<16xf32>
    %neg3A_634 = arith.constant 0.000000e+00 : f32
    %neg3A_635 = vector.broadcast %neg3A_634 : f32 to vector<16xf32>
    %neg3A_636 = arith.subf %neg3A_635, %add3A_633 : vector<16xf32>
    %exp3A_637 = math.exp %neg3A_636 : vector<16xf32>
    %add3A_638 = arith.constant 1.000000e+00 : f32
    %add3A_639 = vector.broadcast %add3A_638 : f32 to vector<16xf32>
    %add3A_640 = arith.addf %add3A_639, %exp3A_637 : vector<16xf32>
    %div3A_641 = arith.constant 1.000000e+00 : f32
    %div3A_642 = vector.broadcast %div3A_641 : f32 to vector<16xf32>
    %div3A_643 = arith.divf %div3A_642, %add3A_640 : vector<16xf32>
    %swap3A_644 = arith.constant 352 : index
    %swap3A_645 = tpu.vector_load %arg11[%swap3A_644] {strides = array<i32>} : memref<512xf32, #tpu.memory_space<vmem>>, vector<16xf32>,
    tpu.vector_store %arg11[%swap3A_644], %div3A_643 {strides = array<i32>} : memref<512xf32, #tpu.memory_space<vmem>>, vector<16xf32>,
    %get3A_646 = arith.constant 368 : index
    %get3A_647 = tpu.vector_load %arg10[%get3A_646] {strides = array<i32>} : memref<512xf32, #tpu.memory_space<vmem>>, vector<16xf32>,
    %add3A_648 = arith.addf %get3A_647, %get3A_303 : vector<16xf32>
    %neg3A_649 = arith.constant 0.000000e+00 : f32
    %neg3A_650 = vector.broadcast %neg3A_649 : f32 to vector<16xf32>
    %neg3A_651 = arith.subf %neg3A_650, %add3A_648 : vector<16xf32>
    %exp3A_652 = math.exp %neg3A_651 : vector<16xf32>
    %add3A_653 = arith.constant 1.000000e+00 : f32
    %add3A_654 = vector.broadcast %add3A_653 : f32 to vector<16xf32>
    %add3A_655 = arith.addf %add3A_654, %exp3A_652 : vector<16xf32>
    %div3A_656 = arith.constant 1.000000e+00 : f32
    %div3A_657 = vector.broadcast %div3A_656 : f32 to vector<16xf32>
    %div3A_658 = arith.divf %div3A_657, %add3A_655 : vector<16xf32>
    %swap3A_659 = arith.constant 368 : index
    %swap3A_660 = tpu.vector_load %arg11[%swap3A_659] {strides = array<i32>} : memref<512xf32, #tpu.memory_space<vmem>>, vector<16xf32>,
    tpu.vector_store %arg11[%swap3A_659], %div3A_658 {strides = array<i32>} : memref<512xf32, #tpu.memory_space<vmem>>, vector<16xf32>,
    %get3A_661 = arith.constant 384 : index
    %get3A_662 = tpu.vector_load %arg10[%get3A_661] {strides = array<i32>} : memref<512xf32, #tpu.memory_space<vmem>>, vector<16xf32>,
    %add3A_663 = arith.addf %get3A_662, %get3A_303 : vector<16xf32>
    %neg3A_664 = arith.constant 0.000000e+00 : f32
    %neg3A_665 = vector.broadcast %neg3A_664 : f32 to vector<16xf32>
    %neg3A_666 = arith.subf %neg3A_665, %add3A_663 : vector<16xf32>
    %exp3A_667 = math.exp %neg3A_666 : vector<16xf32>
    %add3A_668 = arith.constant 1.000000e+00 : f32
    %add3A_669 = vector.broadcast %add3A_668 : f32 to vector<16xf32>
    %add3A_670 = arith.addf %add3A_669, %exp3A_667 : vector<16xf32>
    %div3A_671 = arith.constant 1.000000e+00 : f32
    %div3A_672 = vector.broadcast %div3A_671 : f32 to vector<16xf32>
    %div3A_673 = arith.divf %div3A_672, %add3A_670 : vector<16xf32>
    %swap3A_674 = arith.constant 384 : index
    %swap3A_675 = tpu.vector_load %arg11[%swap3A_674] {strides = array<i32>} : memref<512xf32, #tpu.memory_space<vmem>>, vector<16xf32>,
    tpu.vector_store %arg11[%swap3A_674], %div3A_673 {strides = array<i32>} : memref<512xf32, #tpu.memory_space<vmem>>, vector<16xf32>,
    %get3A_676 = arith.constant 400 : index
    %get3A_677 = tpu.vector_load %arg10[%get3A_676] {strides = array<i32>} : memref<512xf32, #tpu.memory_space<vmem>>, vector<16xf32>,
    %add3A_678 = arith.addf %get3A_677, %get3A_303 : vector<16xf32>
    %neg3A_679 = arith.constant 0.000000e+00 : f32
    %neg3A_680 = vector.broadcast %neg3A_679 : f32 to vector<16xf32>
    %neg3A_681 = arith.subf %neg3A_680, %add3A_678 : vector<16xf32>
    %exp3A_682 = math.exp %neg3A_681 : vector<16xf32>
    %add3A_683 = arith.constant 1.000000e+00 : f32
    %add3A_684 = vector.broadcast %add3A_683 : f32 to vector<16xf32>
    %add3A_685 = arith.addf %add3A_684, %exp3A_682 : vector<16xf32>
    %div3A_686 = arith.constant 1.000000e+00 : f32
    %div3A_687 = vector.broadcast %div3A_686 : f32 to vector<16xf32>
    %div3A_688 = arith.divf %div3A_687, %add3A_685 : vector<16xf32>
    %swap3A_689 = arith.constant 400 : index
    %swap3A_690 = tpu.vector_load %arg11[%swap3A_689] {strides = array<i32>} : memref<512xf32, #tpu.memory_space<vmem>>, vector<16xf32>,
    tpu.vector_store %arg11[%swap3A_689], %div3A_688 {strides = array<i32>} : memref<512xf32, #tpu.memory_space<vmem>>, vector<16xf32>,
    %get3A_691 = arith.constant 416 : index
    %get3A_692 = tpu.vector_load %arg10[%get3A_691] {strides = array<i32>} : memref<512xf32, #tpu.memory_space<vmem>>, vector<16xf32>,
    %add3A_693 = arith.addf %get3A_692, %get3A_303 : vector<16xf32>
    %neg3A_694 = arith.constant 0.000000e+00 : f32
    %neg3A_695 = vector.broadcast %neg3A_694 : f32 to vector<16xf32>
    %neg3A_696 = arith.subf %neg3A_695, %add3A_693 : vector<16xf32>
    %exp3A_697 = math.exp %neg3A_696 : vector<16xf32>
    %add3A_698 = arith.constant 1.000000e+00 : f32
    %add3A_699 = vector.broadcast %add3A_698 : f32 to vector<16xf32>
    %add3A_700 = arith.addf %add3A_699, %exp3A_697 : vector<16xf32>
    %div3A_701 = arith.constant 1.000000e+00 : f32
    %div3A_702 = vector.broadcast %div3A_701 : f32 to vector<16xf32>
    %div3A_703 = arith.divf %div3A_702, %add3A_700 : vector<16xf32>
    %swap3A_704 = arith.constant 416 : index
    %swap3A_705 = tpu.vector_load %arg11[%swap3A_704] {strides = array<i32>} : memref<512xf32, #tpu.memory_space<vmem>>, vector<16xf32>,
    tpu.vector_store %arg11[%swap3A_704], %div3A_703 {strides = array<i32>} : memref<512xf32, #tpu.memory_space<vmem>>, vector<16xf32>,
    %get3A_706 = arith.constant 432 : index
    %get3A_707 = tpu.vector_load %arg10[%get3A_706] {strides = array<i32>} : memref<512xf32, #tpu.memory_space<vmem>>, vector<16xf32>,
    %add3A_708 = arith.addf %get3A_707, %get3A_303 : vector<16xf32>
    %neg3A_709 = arith.constant 0.000000e+00 : f32
    %neg3A_710 = vector.broadcast %neg3A_709 : f32 to vector<16xf32>
    %neg3A_711 = arith.subf %neg3A_710, %add3A_708 : vector<16xf32>
    %exp3A_712 = math.exp %neg3A_711 : vector<16xf32>
    %add3A_713 = arith.constant 1.000000e+00 : f32
    %add3A_714 = vector.broadcast %add3A_713 : f32 to vector<16xf32>
    %add3A_715 = arith.addf %add3A_714, %exp3A_712 : vector<16xf32>
    %div3A_716 = arith.constant 1.000000e+00 : f32
    %div3A_717 = vector.broadcast %div3A_716 : f32 to vector<16xf32>
    %div3A_718 = arith.divf %div3A_717, %add3A_715 : vector<16xf32>
    %swap3A_719 = arith.constant 432 : index
    %swap3A_720 = tpu.vector_load %arg11[%swap3A_719] {strides = array<i32>} : memref<512xf32, #tpu.memory_space<vmem>>, vector<16xf32>,
    tpu.vector_store %arg11[%swap3A_719], %div3A_718 {strides = array<i32>} : memref<512xf32, #tpu.memory_space<vmem>>, vector<16xf32>,
    %get3A_721 = arith.constant 448 : index
    %get3A_722 = tpu.vector_load %arg10[%get3A_721] {strides = array<i32>} : memref<512xf32, #tpu.memory_space<vmem>>, vector<16xf32>,
    %add3A_723 = arith.addf %get3A_722, %get3A_303 : vector<16xf32>
    %neg3A_724 = arith.constant 0.000000e+00 : f32
    %neg3A_725 = vector.broadcast %neg3A_724 : f32 to vector<16xf32>
    %neg3A_726 = arith.subf %neg3A_725, %add3A_723 : vector<16xf32>
    %exp3A_727 = math.exp %neg3A_726 : vector<16xf32>
    %add3A_728 = arith.constant 1.000000e+00 : f32
    %add3A_729 = vector.broadcast %add3A_728 : f32 to vector<16xf32>
    %add3A_730 = arith.addf %add3A_729, %exp3A_727 : vector<16xf32>
    %div3A_731 = arith.constant 1.000000e+00 : f32
    %div3A_732 = vector.broadcast %div3A_731 : f32 to vector<16xf32>
    %div3A_733 = arith.divf %div3A_732, %add3A_730 : vector<16xf32>
    %swap3A_734 = arith.constant 448 : index
    %swap3A_735 = tpu.vector_load %arg11[%swap3A_734] {strides = array<i32>} : memref<512xf32, #tpu.memory_space<vmem>>, vector<16xf32>,
    tpu.vector_store %arg11[%swap3A_734], %div3A_733 {strides = array<i32>} : memref<512xf32, #tpu.memory_space<vmem>>, vector<16xf32>,
    %get3A_736 = arith.constant 464 : index
    %get3A_737 = tpu.vector_load %arg10[%get3A_736] {strides = array<i32>} : memref<512xf32, #tpu.memory_space<vmem>>, vector<16xf32>,
    %add3A_738 = arith.addf %get3A_737, %get3A_303 : vector<16xf32>
    %neg3A_739 = arith.constant 0.000000e+00 : f32
    %neg3A_740 = vector.broadcast %neg3A_739 : f32 to vector<16xf32>
    %neg3A_741 = arith.subf %neg3A_740, %add3A_738 : vector<16xf32>
    %exp3A_742 = math.exp %neg3A_741 : vector<16xf32>
    %add3A_743 = arith.constant 1.000000e+00 : f32
    %add3A_744 = vector.broadcast %add3A_743 : f32 to vector<16xf32>
    %add3A_745 = arith.addf %add3A_744, %exp3A_742 : vector<16xf32>
    %div3A_746 = arith.constant 1.000000e+00 : f32
    %div3A_747 = vector.broadcast %div3A_746 : f32 to vector<16xf32>
    %div3A_748 = arith.divf %div3A_747, %add3A_745 : vector<16xf32>
    %swap3A_749 = arith.constant 464 : index
    %swap3A_750 = tpu.vector_load %arg11[%swap3A_749] {strides = array<i32>} : memref<512xf32, #tpu.memory_space<vmem>>, vector<16xf32>,
    tpu.vector_store %arg11[%swap3A_749], %div3A_748 {strides = array<i32>} : memref<512xf32, #tpu.memory_space<vmem>>, vector<16xf32>,
    %get3A_751 = arith.constant 480 : index
    %get3A_752 = tpu.vector_load %arg10[%get3A_751] {strides = array<i32>} : memref<512xf32, #tpu.memory_space<vmem>>, vector<16xf32>,
    %add3A_753 = arith.addf %get3A_752, %get3A_303 : vector<16xf32>
    %neg3A_754 = arith.constant 0.000000e+00 : f32
    %neg3A_755 = vector.broadcast %neg3A_754 : f32 to vector<16xf32>
    %neg3A_756 = arith.subf %neg3A_755, %add3A_753 : vector<16xf32>
    %exp3A_757 = math.exp %neg3A_756 : vector<16xf32>
    %add3A_758 = arith.constant 1.000000e+00 : f32
    %add3A_759 = vector.broadcast %add3A_758 : f32 to vector<16xf32>
    %add3A_760 = arith.addf %add3A_759, %exp3A_757 : vector<16xf32>
    %div3A_761 = arith.constant 1.000000e+00 : f32
    %div3A_762 = vector.broadcast %div3A_761 : f32 to vector<16xf32>
    %div3A_763 = arith.divf %div3A_762, %add3A_760 : vector<16xf32>
    %swap3A_764 = arith.constant 480 : index
    %swap3A_765 = tpu.vector_load %arg11[%swap3A_764] {strides = array<i32>} : memref<512xf32, #tpu.memory_space<vmem>>, vector<16xf32>,
    tpu.vector_store %arg11[%swap3A_764], %div3A_763 {strides = array<i32>} : memref<512xf32, #tpu.memory_space<vmem>>, vector<16xf32>,
    %get3A_766 = arith.constant 496 : index
    %get3A_767 = tpu.vector_load %arg10[%get3A_766] {strides = array<i32>} : memref<512xf32, #tpu.memory_space<vmem>>, vector<16xf32>,
    %add3A_768 = arith.addf %get3A_767, %get3A_303 : vector<16xf32>
    %neg3A_769 = arith.constant 0.000000e+00 : f32
    %neg3A_770 = vector.broadcast %neg3A_769 : f32 to vector<16xf32>
    %neg3A_771 = arith.subf %neg3A_770, %add3A_768 : vector<16xf32>
    %exp3A_772 = math.exp %neg3A_771 : vector<16xf32>
    %add3A_773 = arith.constant 1.000000e+00 : f32
    %add3A_774 = vector.broadcast %add3A_773 : f32 to vector<16xf32>
    %add3A_775 = arith.addf %add3A_774, %exp3A_772 : vector<16xf32>
    %div3A_776 = arith.constant 1.000000e+00 : f32
    %div3A_777 = vector.broadcast %div3A_776 : f32 to vector<16xf32>
    %div3A_778 = arith.divf %div3A_777, %add3A_775 : vector<16xf32>
    %swap3A_779 = arith.constant 496 : index
    %swap3A_780 = tpu.vector_load %arg11[%swap3A_779] {strides = array<i32>} : memref<512xf32, #tpu.memory_space<vmem>>, vector<16xf32>,
    tpu.vector_store %arg11[%swap3A_779], %div3A_778 {strides = array<i32>} : memref<512xf32, #tpu.memory_space<vmem>>, vector<16xf32>,
    %mul3A_781 = arith.constant 512 : i32
    %mul3A_782 = arith.muli %add3A, %mul3A_781 : i32
    "tpu.region"() ({
      %run_scoped3A = tpu.sem_alloc : memref<!tpu.dma_semaphore, #tpu.memory_space<semaphore_mem>>
      %dma_start3A_783 = tpu.memref_slice %arg6[%mul3A_782] : memref<16384xf32, #tpu.memory_space<hbm>> -> memref<512xf32, #tpu.memory_space<hbm>>
      %dma_start3A_784 = tpu.memref_slice %arg6[%mul3A_782] : memref<16384xf32, #tpu.memory_space<hbm>> -> memref<512xf32, #tpu.memory_space<hbm>>
      tpu.enqueue_dma source(%arg11 : memref<512xf32, #tpu.memory_space<vmem>>) target(%dma_start3A_784 : memref<512xf32, #tpu.memory_space<hbm>>) target_semaphore(%run_scoped3A : memref<!tpu.dma_semaphore, #tpu.memory_space<semaphore_mem>>)
      %dma_wait3A = tpu.memref_slice %arg6[%mul3A_782] : memref<16384xf32, #tpu.memory_space<hbm>> -> memref<512xf32, #tpu.memory_space<hbm>>
      %dma_wait3A_785 = tpu.memref_slice %arg6[%mul3A_782] : memref<16384xf32, #tpu.memory_space<hbm>> -> memref<512xf32, #tpu.memory_space<hbm>>
      tpu.wait_dma2 semaphore(%run_scoped3A : memref<!tpu.dma_semaphore, #tpu.memory_space<semaphore_mem>>) src(%arg11 : memref<512xf32, #tpu.memory_space<vmem>>) dst(%dma_wait3A_785 : memref<512xf32, #tpu.memory_space<hbm>>)
      tpu.yield
    }) : () -> ()
    return
  }
}

</mosaic_0001>

<sc_bundles>
// kernel: kernel.3.cloned.1.call-start
scs
__scs_entry_jumppad:
0x0: {  	(pc) =	sbr.rel $0x88, $3  }
0x1: {  	(tag) =	ssettag $0x0;
	lr =	simm.s32 $0x1  }
0x2: {  	[smem:$0x3F9D] =	sst lr;
	_ =	strace $0xD0000000  }
0x3: {  	_ = 	snop  }
0x4: {  	_ = 	snop  }
0x5: {  	_ = 	snop  }
0x6: {  	_ = 	snop  }
0x7: {  	_ = 	snop  }
__scs_overlays_trampoline_lowered:
0x8: {  	[smem:$0x3FAC] =	sst s0  }
0x9: {  	[smem:$0x3FAD] =	sst s1  }
0xa: {  	[smem:$0x3FAE] =	sst s2  }
0xb: {  	[smem:$0x3FAF] =	sst s3  }
0xc: {  	[smem:$0x3FB0] =	sst s4  }
0xd: {  	[smem:$0x3FB1] =	sst s5  }
0xe: {  	[smem:$0x3FB2] =	sst s6  }
0xf: {  	[smem:$0x3FB3] =	sst s7  }
0x10: {  	[smem:$0x3FB4] =	sst s8  }
0x11: {  	[smem:$0x3FB5] =	sst s9;
	s0 =	simm.s32 @!p0 $0x0  }
0x12: {  	s1 =	sld [smem:$0x3F9B];
	s0 =	simm.s32 @p0 $0x1  }
0x13: {  	[smem:$0x3FB6] =	sst s0;
	s0 =	simm.s32 @!p1 $0x0  }
0x14: {  	s2 =	sld [smem:$0x3F9A];
	s0 =	simm.s32 @p1 $0x1  }
0x15: {  	[smem:$0x3FB7] =	sst s0;
	s0 =	simm.s32 @!p2 $0x0  }
0x16: {  	s3 =	sld [smem:$0x3FDB];
	s0 =	simm.s32 @p2 $0x1  }
0x17: {  	s4 =	simm.s32 $0x1BF5;
	[smem:$0x3FB9] =	sst s0  }
0x18: {  	s0 =	sld [smem:$0x3F9C];
	_ =	swait.ge [sflag:s4], $0x0  }
0x19: {  	s7 =	sld [smem:$0x3F9D]  }
0x1a: {  	s8 =	sadd.s32 $0xFFFFE003, lr  }
0x1b: {  	s9 =	sadd.s32 $0xFFFFFEF7, lr;
	s5 =	simm.s32 $0xFFFFFFFF;
	p2 =	slt.u32 s8, $0xFFFFF086  }
0x1c: {  	p1 =	slt.u32 s9, $0xF7A;
	s5 =	simm.s32 @!p2 $0x0  }
0x1d: {  	s5 =	simm.s32 @p1 $0x1;
	p0 =	seq.s32 s7, s2  }
0x1e: {  	s7 =	smul.u32 @!p0 $0xF7A, s2;
	p2 =	seq.s32 @!p0 s5, $0x0  }
0x1f: {  	s9 =	smul.u32 $0xF7A, s1;
	s8 =	simm.s32 @!p0 $0x1BF5;
	p2 =	por !p2, p0  }
0x20: {  	[sflag:s8] =	ssyncset.s32 @!p0 $0xFFFFF086;
	s6 =	sadd.s32 @!p0 s3, s7;
	s7 =	simm.s32 @!p0 $0x108  }
0x21: {  	s3 =	sadd.s32 s3, s9;
	s6 =	sadd.s32 @!p0 $0x88, s6;
	s7 =	simm.s32 @p2 $0x1082  }
0x22: {  	[simem:s7], [sflag:s8] =	dma.local @!p0 [hbm:s6], $0xF7A  }
0x23: {  	s9 =	sor.u32 $0xD0000000, s2;
	s6 =	simm.s32 $0x108;
	_ =	swait.ge @!p0 [sflag:s8], $0x0  }
0x24: {  	s3 =	sadd.s32 $0x88, s3;
	s6 =	simm.s32 @!p1 $0x1082;
	[sflag:s4] =	ssyncset.s32 $0xFFFFF086  }
0x25: {  	[simem:s6], [sflag:s4] =	dma.local [hbm:s3], $0xF7A  }
0x26: {  	[smem:$0x3F9D] =	sst s1;
	(tag) =	ssettag s2;
	_ =	strace s9  }
0x27: {  	s1 =	sld [smem:$0x3FAD]  }
0x28: {  	s2 =	sld [smem:$0x3FAE]  }
0x29: {  	s4 =	sld [smem:$0x3FB0]  }
0x2a: {  	p0 =	seq.s32 s5, $0x0;
	s5 =	sld [smem:$0x3FB1]  }
0x2b: {  	s6 =	sld [smem:$0x3FB2]  }
0x2c: {  	s7 =	sld [smem:$0x3FB3]  }
0x2d: {  	s3 =	simm.s32 $0x108;
	s8 =	sld [smem:$0x3FB4]  }
0x2e: {  	s3 =	simm.s32 @!p0 $0x1082;
	s9 =	sld [smem:$0x3FB5]  }
0x2f: {  	lr =	sadd.s32 s0, s3;
	s0 =	sld [smem:$0x3FAC]  }
0x30: {  	s3 =	sld [smem:$0x3FAF]  }
0x31: {  	[smem:$0x3FB8] =	sst s10  }
0x32: {  	s10 =	sld [smem:$0x3FB6];
	_ =	sdelay $0x3  }
0x33: {  	p0 =	seq.s32 s10, $0x1;
	s10 =	sld [smem:$0x3FB8];
	_ =	sdelay $0x3  }
0x34: {  	[smem:$0x3FB8] =	sst s10  }
0x35: {  	s10 =	sld [smem:$0x3FB7];
	_ =	sdelay $0x3  }
0x36: {  	p1 =	seq.s32 s10, $0x1;
	s10 =	sld [smem:$0x3FB8];
	_ =	sdelay $0x3  }
0x37: {  	[smem:$0x3FB8] =	sst s10  }
0x38: {  	s10 =	sld [smem:$0x3FB9]  }
0x39: {  	_ = 	snop;
	(pc) =	sbr.ind lr, $3  }
0x3a: {  	_ = 	snop  }
0x3b: {  	_ = 	snop  }
0x3c: {  	p2 =	seq.s32 s10, $0x1;
	s10 =	sld [smem:$0x3FB8]  }
0x3d: {  	_ =	shalt  }
0x3e: {  	_ =	shalt  }
0x3f: {  	_ =	shalt  }
0x40: {  	_ =	shalt  }
0x41: {  	_ =	shalt  }
0x42: {  	_ =	shalt  }
0x43: {  	_ =	shalt  }
0x44: {  	_ =	shalt  }
0x45: {  	_ =	shalt  }
0x46: {  	_ =	shalt  }
0x47: {  	_ =	shalt  }
0x48: {  	_ =	shalt  }
0x49: {  	_ =	shalt  }
0x4a: {  	_ =	shalt  }
0x4b: {  	_ =	shalt  }
0x4c: {  	_ =	shalt  }
0x4d: {  	_ =	shalt  }
0x4e: {  	_ =	shalt  }
0x4f: {  	_ =	shalt  }
0x50: {  	_ =	shalt  }
0x51: {  	_ =	shalt  }
0x52: {  	_ =	shalt  }
0x53: {  	_ =	shalt  }
0x54: {  	_ =	shalt  }
0x55: {  	_ =	shalt  }
0x56: {  	_ =	shalt  }
0x57: {  	_ =	shalt  }
0x58: {  	_ =	shalt  }
0x59: {  	_ =	shalt  }
0x5a: {  	_ =	shalt  }
0x5b: {  	_ =	shalt  }
0x5c: {  	_ =	shalt  }
0x5d: {  	_ =	shalt  }
0x5e: {  	_ =	shalt  }
0x5f: {  	_ =	shalt  }
0x60: {  	_ =	shalt  }
0x61: {  	_ =	shalt  }
0x62: {  	_ =	shalt  }
0x63: {  	_ =	shalt  }
0x64: {  	_ =	shalt  }
0x65: {  	_ =	shalt  }
0x66: {  	_ =	shalt  }
0x67: {  	_ =	shalt  }
0x68: {  	_ =	shalt  }
0x69: {  	_ =	shalt  }
0x6a: {  	_ =	shalt  }
0x6b: {  	_ =	shalt  }
0x6c: {  	_ =	shalt  }
0x6d: {  	_ =	shalt  }
0x6e: {  	_ =	shalt  }
0x6f: {  	_ =	shalt  }
0x70: {  	_ =	shalt  }
0x71: {  	_ =	shalt  }
0x72: {  	_ =	shalt  }
0x73: {  	_ =	shalt  }
0x74: {  	_ =	shalt  }
0x75: {  	_ =	shalt  }
0x76: {  	_ =	shalt  }
0x77: {  	_ =	shalt  }
0x78: {  	_ =	shalt  }
0x79: {  	_ =	shalt  }
0x7a: {  	_ =	shalt  }
0x7b: {  	_ =	shalt  }
0x7c: {  	_ =	shalt  }
0x7d: {  	_ =	shalt  }
0x7e: {  	_ =	shalt  }
0x7f: {  	_ =	shalt  }
0x80: {  	_ =	shalt  }
0x81: {  	_ =	shalt  }
0x82: {  	_ =	shalt  }
0x83: {  	_ =	shalt  }
0x84: {  	_ =	shalt  }
0x85: {  	_ =	shalt  }
0x86: {  	_ =	shalt  }
0x87: {  	_ =	shalt  }
.Lfunc_end0:
.L_simem_size_0:
called_computation_lowered:
.L_overlay_start_0:
0x88: {  	s2 =	sld [smem:$0x3FD9]  }
0x89: {  	s3 =	sld [smem:$0x3FFE];
	_ =	sdelay $0x1  }
0x8a: {  	s1 =	srdreg.scid  }
0x8b: {  	s0 =	sand.u32 $0x1, s1  }
0x8c: {  	s17 =	sshll.u32 s0, $0xA;
	s2 =	sadd.s32 s3, s2  }
0x8d: {  	s2 =	sadd.s32 s2, s17  }
0x8e: {  	[smem:$0x3FC4] =	sst s2  }
0x8f: {  	_ = 	snop  }
0x90: {  	s2 =	sld [smem:$0x3FC7]  }
0x91: {  	s18 =	sld [smem:$0x3FD0];
	(tm) =	ssettm $0x1  }
0x92: {  	s4 =	sld [smem:$0x3FFB];
	_ =	sdelay $0x3  }
0x93: {  	_ =	strace s4  }
0x94: {  	s4 =	sld [smem:$0x3FFC];
	_ =	sdelay $0x3  }
0x95: {  	_ =	strace s4  }
0x96: {  	s4 =	sld [smem:$0x3FFD];
	_ =	sdelay $0x3  }
0x97: {  	_ =	strace s4  }
0x98: {  	_ =	strace $0x8FFFFFFF  }
0x99: {  	s19 =	sld [smem:$0x3FDB];
	_ =	sdelay $0x1  }
0x9a: {  	s5 =	simm.s32 $_scs_section_size  }
0x9b: {  	s6 =	simm.s32 $_size__tile_overlayer_lowered;
	s7 =	simm.s32 $_tile_overlayer_lowered  }
0x9c: {  	s22 =	simm.s32 $0x1BFF;
	s21 =	sshll.u32 s7, $0x1;
	s4 =	sadd.s32 s5, s19  }
0x9d: {  	s8 =	simm.s32 $0x0;
	s20 =	sshll.u32 s6, $0x1;
	s6 =	sadd.s32 s21, s4  }
0x9e: {  	[timem:s8], [sflag:s22] =	dma.local [hbm:s6], s20  }
0x9f: {  	_ =	swait.ge [sflag:s22], s20  }
0xa0: {  	s5 =	ssub.s32 $0x0, s20;
	[sflag:s22] =	ssyncset.done $0x0  }
0xa1: {  	[sflag:s22] =	ssyncadd.s32 s5;
	_ =	sdelay $0x1  }
0xa2: {  	s23 =	simm.s32 $0x1B8B  }
0xa3: {  	_ =	swait.ge [sflag:s23], $0x1  }
0xa4: {  	[sflag:s23] =	ssyncset.done $0x0  }
0xa5: {  	s25 =	simm.s32 $0x1B8E;
	s24 =	sld [smem:$0x3FFE];
	[sflag:s23] =	ssyncadd.s32 $0xFFFFFFFF  }
0xa6: {  	s26 =	simm.s32 $execute0_lowered;
	[smem:$0x3FD2] =	sst s25  }
0xa7: {  	s6 =	sshll.u32 s26, $0x1;
	_ =	strace $0x80000046;
	[dreg:$0x1] =	wrdreg $0xFFFFFFFF  }
0xa8: {  	s28 =	simm.s32 $_size_execute0_lowered;
	s4 =	sadd.s32 s4, s6;
	[dreg:$0x0] =	wrdreg $0x0  }
0xa9: {  	s6 =	sshll.u32 s28, $0x1;
	[dreg:$0x2] =	wrdreg s4  }
0xaa: {  	[dreg:$0x3] =	wrdreg s6  }
0xab: {  	[dreg:$0x4] =	wrdreg $0xC0  }
0xac: {  	_ =	task [dreg:s8], $0x5FFFF  }
0xad: {  	[dreg:$0x1] =	wrdreg $0xFFFFFFFF  }
0xae: {  	[dreg:$0x0] =	wrdreg $0x60  }
0xaf: {  	[dreg:$0x2] =	wrdreg s24  }
0xb0: {  	[dreg:$0x3] =	wrdreg s2  }
0xb1: {  	[dreg:$0x4] =	wrdreg s18  }
0xb2: {  	[dreg:$0x5] =	wrdreg $0x9  }
0xb3: {  	_ =	task.clear_ibuf [dreg:s8], $0x6FFFF;
	_ =	strace $0x90000046  }
0xb4: {  	s29 =	simm.s32 $0x9;
	_ =	strace $0x80000048  }
0xb5: {  	_ =	swait.ge [sflag:s29], $0x1  }
0xb6: {  	[sflag:s29] =	ssyncadd.s32 $0xFFFFFFFF  }
0xb7: {  	_ =	strace $0x90000048  }
0xb8: {  	_ =	sfence  }
0xb9: {  	s30 =	sld [smem:$0x0];
	_ =	sdelay $0x2  }
0xba: {  	s31 =	sshll.u32 s1, $0xD;
	s1 =	sshrl.u32 s1, $0x2  }
0xbb: {  	s3 =	sand.u32 $0x4000, s31;
	s1 =	sadd.s32 s1, s30  }
0xbc: {  	s0 =	sor.u32 s3, s0;
	s1 =	sshll.u32 s1, $0x11  }
0xbd: {  	s0 =	sor.u32 s1, s0  }
0xbe: {  	s0 =	sadd.s32 $0x8F2B, s0  }
0xbf: {  	[sflag:s0] =	ssyncadd.remote.s32 $0x1  }
0xc0: {  	_ =	sfence.sel $0xFFFF  }
0xc1: {  	[dreg:$0x0] =	wrdreg $0xFFFFFFFF;
	(pc) =	sbr.abs _section_cstart, $3  }
0xc2: {  	[dreg:$0x1] =	wrdreg $0xFFFFFFFF  }
0xc3: {  	_ =	task.clear_ibuf [dreg:s8], $0x2FFFF;
	_ =	strace $0x9FFFFFFF  }
0xc4: {  	(tm) =	ssettm $0x7FFFFFFF  }
0xc5: {  	_ =	shalt  }
tec
execute0_lowered:
.L_overlay_start_1:
0x0: {  	(tag) =	ssettag $0x1  }
0x1: {  	s0 =	srdreg.scid;
	s3 =	rddreg [dreg:$0x0]  }
0x2: {  	s2 =	stileid.u32;
	s6 =	rddreg [dreg:$0x2];
	s16 =	simm.s32 $0x0  }
0x3: {  	s21 =	simm.s32 $0x9C00;
	s22 =	simm.s32 $0x9C10;
	s23 =	simm.s32 $0x9C20  }
0x4: {  	s24 =	simm.s32 $0x9C30;
	s25 =	simm.s32 $0x9C40;
	s26 =	simm.s32 $0x9C50  }
0x5: {  	s28 =	simm.s32 $0x9C90;
	s29 =	simm.s32 $0x9CA0;
	s30 =	simm.s32 $0x9CB0  }
0x6: {  	s31 =	simm.s32 $0x9CC0;
	s12 =	simm.s32 $0x9CF0;
	s13 =	simm.s32 $0x9D00  }
0x7: {  	s15 =	simm.s32 $0x9D10;
	[smem:$0x7FF] =	sst s16;
	s18 =	sadd.s32 $0x1A600, s3  }
0x8: {  	s9 =	simm.s32 $0x9DA0;
	_ =	strace $0x80000047;
	[dreg:$0xa] =	wrdreg s18  }
0x9: {  	s7 =	simm.s32 $0x9DE0;
	s8 =	simm.s32 $0x9DF0;
	[dreg:$0x4] =	wrdreg s21  }
0xa: {  	s10 =	simm.s32 $0x0;
	s14 =	simm.s32 $0x1B;
	[dreg:$0x5] =	wrdreg s22  }
0xb: {  	s0 =	sand.u32 $0x1, s0;
	s1 =	sshll.u32 s2, $0x1;
	[dreg:$0x6] =	wrdreg s23  }
0xc: {  	s4 =	sshrl.u32 s2, $0x2;
	s16 =	simm.s32 $0x9D20;
	[dreg:$0x7] =	wrdreg s24  }
0xd: {  	s1 =	sor.u32 s0, s1;
	s4 =	smul.u32 $0x1A000, s4;
	[dreg:$0x8] =	wrdreg s25  }
0xe: {  	s0 =	ssub.s32 $0x2, s0;
	[dreg:$0x9] =	wrdreg s26;
	s24 =	simm.s32 $0x9C60  }
0xf: {  	s25 =	simm.s32 $0x9C70;
	s26 =	simm.s32 $0x9C80;
	s18 =	simm.s32 $0x9D40  }
0x10: {  	s21 =	simm.s32 $0x9D70;
	s22 =	simm.s32 $0x9D80;
	s23 =	simm.s32 $0x9D90  }
0x11: {  	s5 =	sshll.u32 s1, $0x7;
	s17 =	sshrl.u32 s0, $0x1;
	s1 =	sshll.u32 s1, $0x6  }
0x12: {  	s5 =	sand.u32 $0x380, s5;
	s0 =	ssub.s32 s0, s17;
	s1 =	sadd.s32 s6, s1  }
0x13: {  	s17 =	simm.s32 $0x9D30;
	s6 =	simm.s32 $0x9DD0;
	s4 =	sor.u32 s4, s5  }
0x14: {  	[dreg:$0xd] =	wrdreg s1;
	s0 =	smax.u32 s0, $0x1;
	s4 =	sshrl.u32 s4, $0x3  }
0x15: {  	s1 =	simm.s32 $0x9CD0;
	s5 =	simm.s32 $0x9DC0;
	s4 =	sadd.s32 s4, s3  }
0x16: {  	[dreg:$0xe] =	wrdreg s0;
	s0 =	simm.s32 $0x9CE0;
	s19 =	sadd.s32 $0xD600, s4  }
0x17: {  	s20 =	sadd.s32 $0x600, s4;
	s4 =	simm.s32 $0x9DB0;
	[dreg:$0xb] =	wrdreg s19  }
0x18: {  	v0 =	vimm.f32 $0.0e+00;
	[dreg:$0xc] =	wrdreg s20;
	s19 =	simm.s32 $0x9D50;
	s20 =	simm.s32 $0x9D60  }
.LBB2_1:
0x19: {  	[dreg:$0xf] =	wrdreg s10  }
0x1a: {  	s2 =	rddreg [dreg:$0xb]  }
0x1b: {  	s3 =	simm.s32 $0x80;
	s11 =	simm.s32 $0x0;
	s10 =	simm.s32 $0x400  }
0x1c: {  	[tilespmem:s11], [sflag:$0x1B] =	stream.strided.gather [hbm4b:s2+s3], $0x3400, s10, s3, $0x38;
	[tilespmem:$0xA080] =	vst v63  }
0x1d: {  	_ =	swait.ge [sflag:s14], $0x3400  }
0x1e: {  	s10 =	simm.s32 $0x3400;
	s3 =	simm.s32 $0x400;
	[sflag:s14] =	ssyncset.done $0x0  }
0x1f: {  	s11 =	simm.s32 $0x80;
	s2 =	rddreg [dreg:$0xc];
	[sflag:s14] =	ssyncadd.s32 $0xFFFFCC00  }
0x20: {  	[tilespmem:s10], [sflag:$0x1B] =	stream.strided.gather [hbm4b:s2+s11], $0x3400, s3, s11, $0x38;
	[tilespmem:$0xA080] =	vst v63  }
0x21: {  	_ =	swait.ge [sflag:s14], $0x3400  }
0x22: {  	s10 =	simm.s32 $0xA000;
	[sflag:s14] =	ssyncset.done $0x0  }
0x23: {  	s11 =	simm.s32 $0x0;
	s3 =	rddreg [dreg:$0xa];
	[sflag:s14] =	ssyncadd.s32 $0xFFFFCC00  }
0x24: {  	[tilespmem:s10], [sflag:$0x1B] =	stream.linear.gather [hbm4b:s3+s11], $0x80, $0x38;
	[tilespmem:$0xA080] =	vst v63  }
0x25: {  	_ =	swait.ge [sflag:s14], $0x80  }
0x26: {  	[sflag:s14] =	ssyncset.done $0x0  }
0x27: {  	[sflag:s14] =	ssyncadd.s32 $0xFFFFFF80  }
0x28: {  	s3 =	simm.s32 $0x200;
	s10 =	simm.s32 $0x6800;
	s2 =	rddreg [dreg:$0x1]  }
0x29: {  	[tilespmem:s10], [sflag:$0x1] =	stream.indirect.gather [hbm4b:s2+s3], $0x1, s11, s3, $0xb8;
	[tilespmem:$0xA080] =	vst v63  }
0x2a: {  	s11 =	simm.s32 $0x6A00  }
0x2b: {  	[tilespmem:s11], [sflag:$0x2] =	stream.indirect.gather [hbm4b:s2+s3], $0x1, s3, s3, $0xb8;
	[tilespmem:$0xA080] =	vst v63  }
0x2c: {  	s10 =	simm.s32 $0x6C00;
	s11 =	simm.s32 $0x400  }
0x2d: {  	[tilespmem:s10], [sflag:$0x3] =	stream.indirect.gather [hbm4b:s2+s3], $0x1, s11, s3, $0xb8;
	[tilespmem:$0xA080] =	vst v63  }
0x2e: {  	s10 =	simm.s32 $0x600;
	s11 =	simm.s32 $0x6E00  }
0x2f: {  	[tilespmem:s11], [sflag:$0x4] =	stream.indirect.gather [hbm4b:s2+s3], $0x1, s10, s3, $0xb8;
	[tilespmem:$0xA080] =	vst v63  }
0x30: {  	s10 =	simm.s32 $0x800;
	s11 =	simm.s32 $0x7000  }
0x31: {  	[tilespmem:s11], [sflag:$0x5] =	stream.indirect.gather [hbm4b:s2+s3], $0x1, s10, s3, $0xb8;
	[tilespmem:$0xA080] =	vst v63  }
0x32: {  	s10 =	simm.s32 $0xA00;
	s11 =	simm.s32 $0x7200  }
0x33: {  	[tilespmem:s11], [sflag:$0x6] =	stream.indirect.gather [hbm4b:s2+s3], $0x1, s10, s3, $0xb8;
	[tilespmem:$0xA080] =	vst v63  }
0x34: {  	s10 =	simm.s32 $0xC00;
	s11 =	simm.s32 $0x7400  }
0x35: {  	[tilespmem:s11], [sflag:$0x7] =	stream.indirect.gather [hbm4b:s2+s3], $0x1, s10, s3, $0xb8;
	[tilespmem:$0xA080] =	vst v63  }
0x36: {  	s10 =	simm.s32 $0xE00;
	s11 =	simm.s32 $0x7600  }
0x37: {  	[tilespmem:s11], [sflag:$0x8] =	stream.indirect.gather [hbm4b:s2+s3], $0x1, s10, s3, $0xb8;
	[tilespmem:$0xA080] =	vst v63  }
0x38: {  	s10 =	simm.s32 $0x1000;
	s11 =	simm.s32 $0x7800  }
0x39: {  	[tilespmem:s11], [sflag:$0x9] =	stream.indirect.gather [hbm4b:s2+s3], $0x1, s10, s3, $0xb8;
	[tilespmem:$0xA080] =	vst v63  }
0x3a: {  	s10 =	simm.s32 $0x1200;
	s11 =	simm.s32 $0x7A00  }
0x3b: {  	[tilespmem:s11], [sflag:$0xA] =	stream.indirect.gather [hbm4b:s2+s3], $0x1, s10, s3, $0xb8;
	[tilespmem:$0xA080] =	vst v63  }
0x3c: {  	s10 =	simm.s32 $0x1400;
	s11 =	simm.s32 $0x7C00  }
0x3d: {  	[tilespmem:s11], [sflag:$0xB] =	stream.indirect.gather [hbm4b:s2+s3], $0x1, s10, s3, $0xb8;
	[tilespmem:$0xA080] =	vst v63  }
0x3e: {  	s10 =	simm.s32 $0x1600;
	s11 =	simm.s32 $0x7E00  }
0x3f: {  	[tilespmem:s11], [sflag:$0xC] =	stream.indirect.gather [hbm4b:s2+s3], $0x1, s10, s3, $0xb8;
	[tilespmem:$0xA080] =	vst v63  }
0x40: {  	s10 =	simm.s32 $0x1800;
	s11 =	simm.s32 $0x8000  }
0x41: {  	[tilespmem:s11], [sflag:$0xD] =	stream.indirect.gather [hbm4b:s2+s3], $0x1, s10, s3, $0xb8;
	[tilespmem:$0xA080] =	vst v63  }
0x42: {  	s10 =	simm.s32 $0x1A00;
	s11 =	simm.s32 $0x8200  }
0x43: {  	[tilespmem:s11], [sflag:$0xE] =	stream.indirect.gather [hbm4b:s2+s3], $0x1, s10, s3, $0xb8;
	[tilespmem:$0xA080] =	vst v63  }
0x44: {  	s10 =	simm.s32 $0x1C00;
	s11 =	simm.s32 $0x8400  }
0x45: {  	[tilespmem:s11], [sflag:$0xF] =	stream.indirect.gather [hbm4b:s2+s3], $0x1, s10, s3, $0xb8;
	[tilespmem:$0xA080] =	vst v63  }
0x46: {  	s10 =	simm.s32 $0x1E00;
	s11 =	simm.s32 $0x8600  }
0x47: {  	[tilespmem:s11], [sflag:$0x10] =	stream.indirect.gather [hbm4b:s2+s3], $0x1, s10, s3, $0xb8;
	[tilespmem:$0xA080] =	vst v63  }
0x48: {  	s10 =	simm.s32 $0x2000;
	s11 =	simm.s32 $0x8800  }
0x49: {  	[tilespmem:s11], [sflag:$0x11] =	stream.indirect.gather [hbm4b:s2+s3], $0x1, s10, s3, $0xb8;
	[tilespmem:$0xA080] =	vst v63  }
0x4a: {  	s10 =	simm.s32 $0x2200;
	s11 =	simm.s32 $0x8A00  }
0x4b: {  	[tilespmem:s11], [sflag:$0x12] =	stream.indirect.gather [hbm4b:s2+s3], $0x1, s10, s3, $0xb8;
	[tilespmem:$0xA080] =	vst v63  }
0x4c: {  	s10 =	simm.s32 $0x2400;
	s11 =	simm.s32 $0x8C00  }
0x4d: {  	[tilespmem:s11], [sflag:$0x13] =	stream.indirect.gather [hbm4b:s2+s3], $0x1, s10, s3, $0xb8;
	[tilespmem:$0xA080] =	vst v63  }
0x4e: {  	s10 =	simm.s32 $0x2600;
	s11 =	simm.s32 $0x8E00  }
0x4f: {  	[tilespmem:s11], [sflag:$0x14] =	stream.indirect.gather [hbm4b:s2+s3], $0x1, s10, s3, $0xb8;
	[tilespmem:$0xA080] =	vst v63  }
0x50: {  	s10 =	simm.s32 $0x2800;
	s11 =	simm.s32 $0x9000  }
0x51: {  	[tilespmem:s11], [sflag:$0x15] =	stream.indirect.gather [hbm4b:s2+s3], $0x1, s10, s3, $0xb8;
	[tilespmem:$0xA080] =	vst v63  }
0x52: {  	s10 =	simm.s32 $0x2A00;
	s11 =	simm.s32 $0x9200  }
0x53: {  	[tilespmem:s11], [sflag:$0x16] =	stream.indirect.gather [hbm4b:s2+s3], $0x1, s10, s3, $0xb8;
	[tilespmem:$0xA080] =	vst v63  }
0x54: {  	s10 =	simm.s32 $0x2C00;
	s11 =	simm.s32 $0x9400  }
0x55: {  	[tilespmem:s11], [sflag:$0x17] =	stream.indirect.gather [hbm4b:s2+s3], $0x1, s10, s3, $0xb8;
	[tilespmem:$0xA080] =	vst v63  }
0x56: {  	s10 =	simm.s32 $0x2E00;
	s11 =	simm.s32 $0x9600  }
0x57: {  	[tilespmem:s11], [sflag:$0x18] =	stream.indirect.gather [hbm4b:s2+s3], $0x1, s10, s3, $0xb8;
	[tilespmem:$0xA080] =	vst v63  }
0x58: {  	s10 =	simm.s32 $0x3000;
	s11 =	simm.s32 $0x9800  }
0x59: {  	[tilespmem:s11], [sflag:$0x19] =	stream.indirect.gather [hbm4b:s2+s3], $0x1, s10, s3, $0xb8;
	[tilespmem:$0xA080] =	vst v63  }
0x5a: {  	s10 =	simm.s32 $0x3200;
	s11 =	simm.s32 $0x9A00  }
0x5b: {  	[tilespmem:s11], [sflag:$0x1A] =	stream.indirect.gather [hbm4b:s2+s3], $0x1, s10, s3, $0xb8;
	[tilespmem:$0xA080] =	vst v63  }
0x5c: {  	[tilespmem:$0x9C00] =	vst v0  }
0x5d: {  	[tilespmem:$0x9C10] =	vst v0  }
0x5e: {  	[tilespmem:$0x9C20] =	vst v0  }
0x5f: {  	[tilespmem:$0x9C30] =	vst v0  }
0x60: {  	[tilespmem:$0x9C40] =	vst v0  }
0x61: {  	[tilespmem:$0x9C50] =	vst v0  }
0x62: {  	[tilespmem:$0x9C60] =	vst v0  }
0x63: {  	[tilespmem:$0x9C70] =	vst v0  }
0x64: {  	[tilespmem:$0x9C80] =	vst v0  }
0x65: {  	[tilespmem:$0x9C90] =	vst v0  }
0x66: {  	[tilespmem:$0x9CA0] =	vst v0  }
0x67: {  	[tilespmem:$0x9CB0] =	vst v0  }
0x68: {  	[tilespmem:$0x9CC0] =	vst v0  }
0x69: {  	[tilespmem:$0x9CD0] =	vst v0  }
0x6a: {  	[tilespmem:$0x9CE0] =	vst v0  }
0x6b: {  	[tilespmem:$0x9CF0] =	vst v0  }
0x6c: {  	[tilespmem:$0x9D00] =	vst v0  }
0x6d: {  	[tilespmem:$0x9D10] =	vst v0  }
0x6e: {  	[tilespmem:$0x9D20] =	vst v0  }
0x6f: {  	[tilespmem:$0x9D30] =	vst v0  }
0x70: {  	[tilespmem:$0x9D40] =	vst v0  }
0x71: {  	[tilespmem:$0x9D50] =	vst v0  }
0x72: {  	[tilespmem:$0x9D60] =	vst v0  }
0x73: {  	[tilespmem:$0x9D70] =	vst v0  }
0x74: {  	[tilespmem:$0x9D80] =	vst v0  }
0x75: {  	[tilespmem:$0x9D90] =	vst v0  }
0x76: {  	[tilespmem:$0x9DA0] =	vst v0  }
0x77: {  	[tilespmem:$0x9DB0] =	vst v0  }
0x78: {  	[tilespmem:$0x9DC0] =	vst v0  }
0x79: {  	[tilespmem:$0x9DD0] =	vst v0  }
0x7a: {  	[tilespmem:$0x9DE0] =	vst v0  }
0x7b: {  	s3 =	simm.s32 $0x1;
	[tilespmem:$0x9DF0] =	vst v0  }
0x7c: {  	_ =	swait.ge [sflag:s3], $0x200  }
0x7d: {  	[sflag:s3] =	ssyncset.done $0x0  }
0x7e: {  	s11 =	simm.s32 $0x0;
	[sflag:s3] =	ssyncadd.s32 $0xFFFFFE00  }
0x7f: {  	v1 =	vld [tilespmem:s11+$0x6800]  }
0x80: {  	v2 =	vld [tilespmem:s11+$0x3400];
	_ =	sdelay $0x4  }
0x81: {  	v1 =	vmul.f32 v2, v1  }
0x82: {  	s2 =	rddreg [dreg:$0x4]  }
0x83: {  	[tilespmem:s2+$0x0] =	vst.add.f32.msk $0xffff, v1  }
0x84: {  	v1 =	vld [tilespmem:s11+$0x6810]  }
0x85: {  	v2 =	vld [tilespmem:s11+$0x3410];
	_ =	sdelay $0x4  }
0x86: {  	v1 =	vmul.f32 v2, v1  }
0x87: {  	s2 =	rddreg [dreg:$0x5]  }
0x88: {  	[tilespmem:s2+$0x0] =	vst.add.f32.msk $0xffff, v1  }
0x89: {  	v1 =	vld [tilespmem:s11+$0x6820]  }
0x8a: {  	v2 =	vld [tilespmem:s11+$0x3420];
	_ =	sdelay $0x4  }
0x8b: {  	v1 =	vmul.f32 v2, v1  }
0x8c: {  	s2 =	rddreg [dreg:$0x6]  }
0x8d: {  	[tilespmem:s2+$0x0] =	vst.add.f32.msk $0xffff, v1  }
0x8e: {  	v1 =	vld [tilespmem:s11+$0x6830]  }
0x8f: {  	v2 =	vld [tilespmem:s11+$0x3430];
	_ =	sdelay $0x4  }
0x90: {  	v1 =	vmul.f32 v2, v1  }
0x91: {  	s2 =	rddreg [dreg:$0x7]  }
0x92: {  	[tilespmem:s2+$0x0] =	vst.add.f32.msk $0xffff, v1  }
0x93: {  	v1 =	vld [tilespmem:s11+$0x6840]  }
0x94: {  	v2 =	vld [tilespmem:s11+$0x3440];
	_ =	sdelay $0x4  }
0x95: {  	v1 =	vmul.f32 v2, v1  }
0x96: {  	s2 =	rddreg [dreg:$0x8]  }
0x97: {  	[tilespmem:s2+$0x0] =	vst.add.f32.msk $0xffff, v1  }
0x98: {  	v1 =	vld [tilespmem:s11+$0x6850]  }
0x99: {  	v2 =	vld [tilespmem:s11+$0x3450];
	_ =	sdelay $0x4  }
0x9a: {  	v1 =	vmul.f32 v2, v1  }
0x9b: {  	s2 =	rddreg [dreg:$0x9]  }
0x9c: {  	[tilespmem:s2+$0x0] =	vst.add.f32.msk $0xffff, v1  }
0x9d: {  	v1 =	vld [tilespmem:s11+$0x6860]  }
0x9e: {  	v2 =	vld [tilespmem:s11+$0x3460];
	_ =	sdelay $0x4  }
0x9f: {  	v1 =	vmul.f32 v2, v1;
	_ =	sdelay $0x1  }
0xa0: {  	[tilespmem:s24+$0x0] =	vst.add.f32.msk $0xffff, v1  }
0xa1: {  	v1 =	vld [tilespmem:s11+$0x6870]  }
0xa2: {  	v2 =	vld [tilespmem:s11+$0x3470];
	_ =	sdelay $0x4  }
0xa3: {  	v1 =	vmul.f32 v2, v1;
	_ =	sdelay $0x1  }
0xa4: {  	[tilespmem:s25+$0x0] =	vst.add.f32.msk $0xffff, v1  }
0xa5: {  	v1 =	vld [tilespmem:s11+$0x6880]  }
0xa6: {  	v2 =	vld [tilespmem:s11+$0x3480];
	_ =	sdelay $0x4  }
0xa7: {  	v1 =	vmul.f32 v2, v1;
	_ =	sdelay $0x1  }
0xa8: {  	[tilespmem:s26+$0x0] =	vst.add.f32.msk $0xffff, v1  }
0xa9: {  	v1 =	vld [tilespmem:s11+$0x6890]  }
0xaa: {  	v2 =	vld [tilespmem:s11+$0x3490];
	_ =	sdelay $0x4  }
0xab: {  	v1 =	vmul.f32 v2, v1;
	_ =	sdelay $0x1  }
0xac: {  	[tilespmem:s28+$0x0] =	vst.add.f32.msk $0xffff, v1  }
0xad: {  	v1 =	vld [tilespmem:s11+$0x68A0]  }
0xae: {  	v2 =	vld [tilespmem:s11+$0x34A0];
	_ =	sdelay $0x4  }
0xaf: {  	v1 =	vmul.f32 v2, v1;
	_ =	sdelay $0x1  }
0xb0: {  	[tilespmem:s29+$0x0] =	vst.add.f32.msk $0xffff, v1  }
0xb1: {  	v1 =	vld [tilespmem:s11+$0x68B0]  }
0xb2: {  	v2 =	vld [tilespmem:s11+$0x34B0];
	_ =	sdelay $0x4  }
0xb3: {  	v1 =	vmul.f32 v2, v1;
	_ =	sdelay $0x1  }
0xb4: {  	[tilespmem:s30+$0x0] =	vst.add.f32.msk $0xffff, v1  }
0xb5: {  	v1 =	vld [tilespmem:s11+$0x68C0]  }
0xb6: {  	v2 =	vld [tilespmem:s11+$0x34C0];
	_ =	sdelay $0x4  }
0xb7: {  	v1 =	vmul.f32 v2, v1;
	_ =	sdelay $0x1  }
0xb8: {  	[tilespmem:s31+$0x0] =	vst.add.f32.msk $0xffff, v1  }
0xb9: {  	v1 =	vld [tilespmem:s11+$0x68D0]  }
0xba: {  	v2 =	vld [tilespmem:s11+$0x34D0];
	_ =	sdelay $0x4  }
0xbb: {  	v1 =	vmul.f32 v2, v1;
	_ =	sdelay $0x1  }
0xbc: {  	[tilespmem:s1+$0x0] =	vst.add.f32.msk $0xffff, v1  }
0xbd: {  	v1 =	vld [tilespmem:s11+$0x68E0]  }
0xbe: {  	v2 =	vld [tilespmem:s11+$0x34E0];
	_ =	sdelay $0x4  }
0xbf: {  	v1 =	vmul.f32 v2, v1;
	_ =	sdelay $0x1  }
0xc0: {  	[tilespmem:s0+$0x0] =	vst.add.f32.msk $0xffff, v1  }
0xc1: {  	v1 =	vld [tilespmem:s11+$0x68F0]  }
0xc2: {  	v2 =	vld [tilespmem:s11+$0x34F0];
	_ =	sdelay $0x4  }
0xc3: {  	v1 =	vmul.f32 v2, v1;
	_ =	sdelay $0x1  }
0xc4: {  	[tilespmem:s12+$0x0] =	vst.add.f32.msk $0xffff, v1  }
0xc5: {  	v1 =	vld [tilespmem:s11+$0x6900]  }
0xc6: {  	v2 =	vld [tilespmem:s11+$0x3500];
	_ =	sdelay $0x4  }
0xc7: {  	v1 =	vmul.f32 v2, v1;
	_ =	sdelay $0x1  }
0xc8: {  	[tilespmem:s13+$0x0] =	vst.add.f32.msk $0xffff, v1  }
0xc9: {  	v1 =	vld [tilespmem:s11+$0x6910]  }
0xca: {  	v2 =	vld [tilespmem:s11+$0x3510];
	_ =	sdelay $0x4  }
0xcb: {  	v1 =	vmul.f32 v2, v1;
	_ =	sdelay $0x1  }
0xcc: {  	[tilespmem:s15+$0x0] =	vst.add.f32.msk $0xffff, v1  }
0xcd: {  	v1 =	vld [tilespmem:s11+$0x6920]  }
0xce: {  	v2 =	vld [tilespmem:s11+$0x3520];
	_ =	sdelay $0x4  }
0xcf: {  	v1 =	vmul.f32 v2, v1;
	_ =	sdelay $0x1  }
0xd0: {  	[tilespmem:s16+$0x0] =	vst.add.f32.msk $0xffff, v1  }
0xd1: {  	v1 =	vld [tilespmem:s11+$0x6930]  }
0xd2: {  	v2 =	vld [tilespmem:s11+$0x3530];
	_ =	sdelay $0x4  }
0xd3: {  	v1 =	vmul.f32 v2, v1;
	_ =	sdelay $0x1  }
0xd4: {  	[tilespmem:s17+$0x0] =	vst.add.f32.msk $0xffff, v1  }
0xd5: {  	v1 =	vld [tilespmem:s11+$0x6940]  }
0xd6: {  	v2 =	vld [tilespmem:s11+$0x3540];
	_ =	sdelay $0x4  }
0xd7: {  	v1 =	vmul.f32 v2, v1;
	_ =	sdelay $0x1  }
0xd8: {  	[tilespmem:s18+$0x0] =	vst.add.f32.msk $0xffff, v1  }
0xd9: {  	v1 =	vld [tilespmem:s11+$0x6950]  }
0xda: {  	v2 =	vld [tilespmem:s11+$0x3550];
	_ =	sdelay $0x4  }
0xdb: {  	v1 =	vmul.f32 v2, v1;
	_ =	sdelay $0x1  }
0xdc: {  	[tilespmem:s19+$0x0] =	vst.add.f32.msk $0xffff, v1  }
0xdd: {  	v1 =	vld [tilespmem:s11+$0x6960]  }
0xde: {  	v2 =	vld [tilespmem:s11+$0x3560];
	_ =	sdelay $0x4  }
0xdf: {  	v1 =	vmul.f32 v2, v1;
	_ =	sdelay $0x1  }
0xe0: {  	[tilespmem:s20+$0x0] =	vst.add.f32.msk $0xffff, v1  }
0xe1: {  	v1 =	vld [tilespmem:s11+$0x6970]  }
0xe2: {  	v2 =	vld [tilespmem:s11+$0x3570];
	_ =	sdelay $0x4  }
0xe3: {  	v1 =	vmul.f32 v2, v1;
	_ =	sdelay $0x1  }
0xe4: {  	[tilespmem:s21+$0x0] =	vst.add.f32.msk $0xffff, v1  }
0xe5: {  	v1 =	vld [tilespmem:s11+$0x6980]  }
0xe6: {  	v2 =	vld [tilespmem:s11+$0x3580];
	_ =	sdelay $0x4  }
0xe7: {  	v1 =	vmul.f32 v2, v1;
	_ =	sdelay $0x1  }
0xe8: {  	[tilespmem:s22+$0x0] =	vst.add.f32.msk $0xffff, v1  }
0xe9: {  	v1 =	vld [tilespmem:s11+$0x6990]  }
0xea: {  	v2 =	vld [tilespmem:s11+$0x3590];
	_ =	sdelay $0x4  }
0xeb: {  	v1 =	vmul.f32 v2, v1;
	_ =	sdelay $0x1  }
0xec: {  	[tilespmem:s23+$0x0] =	vst.add.f32.msk $0xffff, v1  }
0xed: {  	v1 =	vld [tilespmem:s11+$0x69A0]  }
0xee: {  	v2 =	vld [tilespmem:s11+$0x35A0];
	_ =	sdelay $0x4  }
0xef: {  	v1 =	vmul.f32 v2, v1;
	_ =	sdelay $0x1  }
0xf0: {  	[tilespmem:s9+$0x0] =	vst.add.f32.msk $0xffff, v1  }
0xf1: {  	v1 =	vld [tilespmem:s11+$0x69B0]  }
0xf2: {  	v2 =	vld [tilespmem:s11+$0x35B0];
	_ =	sdelay $0x4  }
0xf3: {  	v1 =	vmul.f32 v2, v1;
	_ =	sdelay $0x1  }
0xf4: {  	[tilespmem:s4+$0x0] =	vst.add.f32.msk $0xffff, v1  }
0xf5: {  	v1 =	vld [tilespmem:s11+$0x69C0]  }
0xf6: {  	s10 =	simm.s32 $0x800;
	v2 =	vld [tilespmem:s11+$0x35C0]  }
.LBB2_2:
0xf7: {  	_ =	sdelay $0x3  }
0xf8: {  	v1 =	vmul.f32 v2, v1;
	_ =	sdelay $0x1  }
0xf9: {  	[tilespmem:s5+$0x0] =	vst.add.f32.msk $0xffff, v1  }
0xfa: {  	v1 =	vld [tilespmem:s11+$0x69D0]  }
0xfb: {  	v2 =	vld [tilespmem:s11+$0x35D0];
	_ =	sdelay $0x4  }
0xfc: {  	v1 =	vmul.f32 v2, v1;
	_ =	sdelay $0x1  }
0xfd: {  	[tilespmem:s6+$0x0] =	vst.add.f32.msk $0xffff, v1  }
0xfe: {  	v1 =	vld [tilespmem:s11+$0x69E0]  }
0xff: {  	v2 =	vld [tilespmem:s11+$0x35E0];
	_ =	sdelay $0x4  }
0x100: {  	v1 =	vmul.f32 v2, v1;
	_ =	sdelay $0x1  }
0x101: {  	[tilespmem:s7+$0x0] =	vst.add.f32.msk $0xffff, v1  }
0x102: {  	v1 =	vld [tilespmem:s11+$0x69F0]  }
0x103: {  	v2 =	vld [tilespmem:s11+$0x35F0];
	_ =	sdelay $0x4  }
0x104: {  	v1 =	vmul.f32 v2, v1;
	_ =	sdelay $0x1  }
0x105: {  	s3 =	sadd.s32 $0x1, s3;
	[tilespmem:s8+$0x0] =	vst.add.f32.msk $0xffff, v1  }
0x106: {  	_ =	swait.ge [sflag:s3], $0x200  }
0x107: {  	s2 =	smov.u32 s10;
	[sflag:s3] =	ssyncset.done $0x0  }
0x108: {  	s11 =	sshra.s32 s2, $0x2;
	[sflag:s3] =	ssyncadd.s32 $0xFFFFFE00  }
0x109: {  	v1 =	vld [tilespmem:s11+$0x6800]  }
0x10a: {  	v2 =	vld [tilespmem:s11+$0x3400];
	_ =	sdelay $0x4  }
0x10b: {  	v1 =	vmul.f32 v2, v1  }
0x10c: {  	s2 =	rddreg [dreg:$0x4]  }
0x10d: {  	[tilespmem:s2+$0x0] =	vst.add.f32.msk $0xffff, v1  }
0x10e: {  	v1 =	vld [tilespmem:s11+$0x6810]  }
0x10f: {  	v2 =	vld [tilespmem:s11+$0x3410];
	_ =	sdelay $0x4  }
0x110: {  	v1 =	vmul.f32 v2, v1  }
0x111: {  	s2 =	rddreg [dreg:$0x5]  }
0x112: {  	[tilespmem:s2+$0x0] =	vst.add.f32.msk $0xffff, v1  }
0x113: {  	v1 =	vld [tilespmem:s11+$0x6820]  }
0x114: {  	v2 =	vld [tilespmem:s11+$0x3420];
	_ =	sdelay $0x4  }
0x115: {  	v1 =	vmul.f32 v2, v1  }
0x116: {  	s2 =	rddreg [dreg:$0x6]  }
0x117: {  	[tilespmem:s2+$0x0] =	vst.add.f32.msk $0xffff, v1  }
0x118: {  	v1 =	vld [tilespmem:s11+$0x6830]  }
0x119: {  	v2 =	vld [tilespmem:s11+$0x3430];
	_ =	sdelay $0x4  }
0x11a: {  	v1 =	vmul.f32 v2, v1  }
0x11b: {  	s2 =	rddreg [dreg:$0x7]  }
0x11c: {  	[tilespmem:s2+$0x0] =	vst.add.f32.msk $0xffff, v1  }
0x11d: {  	v1 =	vld [tilespmem:s11+$0x6840]  }
0x11e: {  	v2 =	vld [tilespmem:s11+$0x3440];
	_ =	sdelay $0x4  }
0x11f: {  	v1 =	vmul.f32 v2, v1  }
0x120: {  	s2 =	rddreg [dreg:$0x8]  }
0x121: {  	[tilespmem:s2+$0x0] =	vst.add.f32.msk $0xffff, v1  }
0x122: {  	v1 =	vld [tilespmem:s11+$0x6850]  }
0x123: {  	v2 =	vld [tilespmem:s11+$0x3450];
	_ =	sdelay $0x4  }
0x124: {  	v1 =	vmul.f32 v2, v1  }
0x125: {  	s2 =	rddreg [dreg:$0x9]  }
0x126: {  	[tilespmem:s2+$0x0] =	vst.add.f32.msk $0xffff, v1  }
0x127: {  	v1 =	vld [tilespmem:s11+$0x6860]  }
0x128: {  	v2 =	vld [tilespmem:s11+$0x3460];
	_ =	sdelay $0x4  }
0x129: {  	v1 =	vmul.f32 v2, v1;
	_ =	sdelay $0x1  }
0x12a: {  	[tilespmem:s24+$0x0] =	vst.add.f32.msk $0xffff, v1  }
0x12b: {  	v1 =	vld [tilespmem:s11+$0x6870]  }
0x12c: {  	v2 =	vld [tilespmem:s11+$0x3470];
	_ =	sdelay $0x4  }
0x12d: {  	v1 =	vmul.f32 v2, v1;
	_ =	sdelay $0x1  }
0x12e: {  	[tilespmem:s25+$0x0] =	vst.add.f32.msk $0xffff, v1  }
0x12f: {  	v1 =	vld [tilespmem:s11+$0x6880]  }
0x130: {  	v2 =	vld [tilespmem:s11+$0x3480];
	_ =	sdelay $0x4  }
0x131: {  	v1 =	vmul.f32 v2, v1;
	_ =	sdelay $0x1  }
0x132: {  	[tilespmem:s26+$0x0] =	vst.add.f32.msk $0xffff, v1  }
0x133: {  	v1 =	vld [tilespmem:s11+$0x6890]  }
0x134: {  	v2 =	vld [tilespmem:s11+$0x3490];
	_ =	sdelay $0x4  }
0x135: {  	v1 =	vmul.f32 v2, v1;
	_ =	sdelay $0x1  }
0x136: {  	[tilespmem:s28+$0x0] =	vst.add.f32.msk $0xffff, v1  }
0x137: {  	v1 =	vld [tilespmem:s11+$0x68A0]  }
0x138: {  	v2 =	vld [tilespmem:s11+$0x34A0];
	_ =	sdelay $0x4  }
0x139: {  	v1 =	vmul.f32 v2, v1;
	_ =	sdelay $0x1  }
0x13a: {  	[tilespmem:s29+$0x0] =	vst.add.f32.msk $0xffff, v1  }
0x13b: {  	v1 =	vld [tilespmem:s11+$0x68B0]  }
0x13c: {  	v2 =	vld [tilespmem:s11+$0x34B0];
	_ =	sdelay $0x4  }
0x13d: {  	v1 =	vmul.f32 v2, v1;
	_ =	sdelay $0x1  }
0x13e: {  	[tilespmem:s30+$0x0] =	vst.add.f32.msk $0xffff, v1  }
0x13f: {  	v1 =	vld [tilespmem:s11+$0x68C0]  }
0x140: {  	v2 =	vld [tilespmem:s11+$0x34C0];
	_ =	sdelay $0x4  }
0x141: {  	v1 =	vmul.f32 v2, v1;
	_ =	sdelay $0x1  }
0x142: {  	[tilespmem:s31+$0x0] =	vst.add.f32.msk $0xffff, v1  }
0x143: {  	v1 =	vld [tilespmem:s11+$0x68D0]  }
0x144: {  	v2 =	vld [tilespmem:s11+$0x34D0];
	_ =	sdelay $0x4  }
0x145: {  	v1 =	vmul.f32 v2, v1;
	_ =	sdelay $0x1  }
0x146: {  	[tilespmem:s1+$0x0] =	vst.add.f32.msk $0xffff, v1  }
0x147: {  	v1 =	vld [tilespmem:s11+$0x68E0]  }
0x148: {  	v2 =	vld [tilespmem:s11+$0x34E0];
	_ =	sdelay $0x4  }
0x149: {  	v1 =	vmul.f32 v2, v1;
	_ =	sdelay $0x1  }
0x14a: {  	[tilespmem:s0+$0x0] =	vst.add.f32.msk $0xffff, v1  }
0x14b: {  	v1 =	vld [tilespmem:s11+$0x68F0]  }
0x14c: {  	v2 =	vld [tilespmem:s11+$0x34F0];
	_ =	sdelay $0x4  }
0x14d: {  	v1 =	vmul.f32 v2, v1;
	_ =	sdelay $0x1  }
0x14e: {  	[tilespmem:s12+$0x0] =	vst.add.f32.msk $0xffff, v1  }
0x14f: {  	v1 =	vld [tilespmem:s11+$0x6900]  }
0x150: {  	v2 =	vld [tilespmem:s11+$0x3500];
	_ =	sdelay $0x4  }
0x151: {  	v1 =	vmul.f32 v2, v1;
	_ =	sdelay $0x1  }
0x152: {  	[tilespmem:s13+$0x0] =	vst.add.f32.msk $0xffff, v1  }
0x153: {  	v1 =	vld [tilespmem:s11+$0x6910]  }
0x154: {  	v2 =	vld [tilespmem:s11+$0x3510];
	_ =	sdelay $0x4  }
0x155: {  	v1 =	vmul.f32 v2, v1;
	_ =	sdelay $0x1  }
0x156: {  	[tilespmem:s15+$0x0] =	vst.add.f32.msk $0xffff, v1  }
0x157: {  	v1 =	vld [tilespmem:s11+$0x6920]  }
0x158: {  	v2 =	vld [tilespmem:s11+$0x3520];
	_ =	sdelay $0x4  }
0x159: {  	v1 =	vmul.f32 v2, v1;
	_ =	sdelay $0x1  }
0x15a: {  	[tilespmem:s16+$0x0] =	vst.add.f32.msk $0xffff, v1  }
0x15b: {  	v1 =	vld [tilespmem:s11+$0x6930]  }
0x15c: {  	v2 =	vld [tilespmem:s11+$0x3530];
	_ =	sdelay $0x4  }
0x15d: {  	v1 =	vmul.f32 v2, v1;
	_ =	sdelay $0x1  }
0x15e: {  	[tilespmem:s17+$0x0] =	vst.add.f32.msk $0xffff, v1  }
0x15f: {  	v1 =	vld [tilespmem:s11+$0x6940]  }
0x160: {  	v2 =	vld [tilespmem:s11+$0x3540];
	_ =	sdelay $0x4  }
0x161: {  	v1 =	vmul.f32 v2, v1;
	_ =	sdelay $0x1  }
0x162: {  	[tilespmem:s18+$0x0] =	vst.add.f32.msk $0xffff, v1  }
0x163: {  	v1 =	vld [tilespmem:s11+$0x6950]  }
0x164: {  	v2 =	vld [tilespmem:s11+$0x3550];
	_ =	sdelay $0x4  }
0x165: {  	v1 =	vmul.f32 v2, v1;
	_ =	sdelay $0x1  }
0x166: {  	[tilespmem:s19+$0x0] =	vst.add.f32.msk $0xffff, v1  }
0x167: {  	v1 =	vld [tilespmem:s11+$0x6960]  }
0x168: {  	v2 =	vld [tilespmem:s11+$0x3560];
	_ =	sdelay $0x4  }
0x169: {  	v1 =	vmul.f32 v2, v1;
	_ =	sdelay $0x1  }
0x16a: {  	[tilespmem:s20+$0x0] =	vst.add.f32.msk $0xffff, v1  }
0x16b: {  	v1 =	vld [tilespmem:s11+$0x6970]  }
0x16c: {  	v2 =	vld [tilespmem:s11+$0x3570];
	_ =	sdelay $0x4  }
0x16d: {  	v1 =	vmul.f32 v2, v1;
	_ =	sdelay $0x1  }
0x16e: {  	[tilespmem:s21+$0x0] =	vst.add.f32.msk $0xffff, v1  }
0x16f: {  	v1 =	vld [tilespmem:s11+$0x6980]  }
0x170: {  	v2 =	vld [tilespmem:s11+$0x3580];
	_ =	sdelay $0x4  }
0x171: {  	v1 =	vmul.f32 v2, v1;
	_ =	sdelay $0x1  }
0x172: {  	[tilespmem:s22+$0x0] =	vst.add.f32.msk $0xffff, v1  }
0x173: {  	v1 =	vld [tilespmem:s11+$0x6990]  }
0x174: {  	v2 =	vld [tilespmem:s11+$0x3590];
	_ =	sdelay $0x4  }
0x175: {  	v1 =	vmul.f32 v2, v1;
	_ =	sdelay $0x1  }
0x176: {  	[tilespmem:s23+$0x0] =	vst.add.f32.msk $0xffff, v1  }
0x177: {  	v1 =	vld [tilespmem:s11+$0x69A0]  }
0x178: {  	v2 =	vld [tilespmem:s11+$0x35A0];
	_ =	sdelay $0x4  }
0x179: {  	v1 =	vmul.f32 v2, v1;
	_ =	sdelay $0x1  }
0x17a: {  	[tilespmem:s9+$0x0] =	vst.add.f32.msk $0xffff, v1  }
0x17b: {  	v1 =	vld [tilespmem:s11+$0x69B0]  }
0x17c: {  	v2 =	vld [tilespmem:s11+$0x35B0];
	_ =	sdelay $0x3  }
0x17d: {  	p0 =	sne.s32 s10, $0xC800  }
.Ltmp0:
0x17e: {  	v1 =	vmul.f32 v2, v1;
	(pc) =	sbr.rel @p0 .LBB2_2-.Ltmp0, $4  }
0x17f: {  	_ = 	snop  }
0x180: {  	[tilespmem:s4+$0x0] =	vst.add.f32.msk $0xffff, v1  }
0x181: {  	v1 =	vld [tilespmem:s11+$0x69C0]  }
0x182: {  	s10 =	sadd.s32 $0x800, s10;
	v2 =	vld [tilespmem:s11+$0x35C0]  }
0x183: {  	_ =	sdelay $0x3  }
0x184: {  	v1 =	vmul.f32 v2, v1;
	_ =	sdelay $0x1  }
0x185: {  	[tilespmem:s5+$0x0] =	vst.add.f32.msk $0xffff, v1  }
0x186: {  	v1 =	vld [tilespmem:s11+$0x69D0]  }
0x187: {  	v2 =	vld [tilespmem:s11+$0x35D0];
	_ =	sdelay $0x4  }
0x188: {  	v1 =	vmul.f32 v2, v1;
	_ =	sdelay $0x1  }
0x189: {  	[tilespmem:s6+$0x0] =	vst.add.f32.msk $0xffff, v1  }
0x18a: {  	v1 =	vld [tilespmem:s11+$0x69E0]  }
0x18b: {  	v2 =	vld [tilespmem:s11+$0x35E0];
	_ =	sdelay $0x4  }
0x18c: {  	v1 =	vmul.f32 v2, v1;
	_ =	sdelay $0x1  }
0x18d: {  	[tilespmem:s7+$0x0] =	vst.add.f32.msk $0xffff, v1  }
0x18e: {  	v1 =	vld [tilespmem:s11+$0x69F0]  }
0x18f: {  	v2 =	vld [tilespmem:s11+$0x35F0];
	_ =	sdelay $0x4  }
0x190: {  	v1 =	vmul.f32 v2, v1;
	_ =	sdelay $0x1  }
0x191: {  	[tilespmem:s8+$0x0] =	vst.add.f32.msk $0xffff, v1  }
0x192: {  	v1 =	vld [tilespmem:$0xA000]  }
0x193: {  	v2 =	vld [tilespmem:$0x9C00];
	_ =	sdelay $0x4  }
0x194: {  	v2 =	vadd.f32 v2, v1;
	_ =	sdelay $0x1  }
0x195: {  	v2 =	vsub.f32 $0.0e+00, v2;
	_ =	sdelay $0x1  }
0x196: {  	v2 =	vmul.f32 $1.442695020e+00, v2;
	_ =	sdelay $0x1  }
0x197: {  	(erf) = vpow2.f32 v2;
	_ =	sdelay $0x1  }
0x198: {  	v2 =	vld [tilespmem:$0x9C10];
	_ =	sdelay $0x4  }
0x199: {  	v2 =	vadd.f32 v2, v1;
	_ =	sdelay $0x1  }
0x19a: {  	v2 =	vsub.f32 $0.0e+00, v2;
	v3 =	vpop (erf)  }
0x19b: {  	v3 =	vadd.f32 $1.000000000e+00, v3  }
0x19c: {  	v2 =	vmul.f32 $1.442695020e+00, v2  }
0x19d: {  	(erf) = vrcp.f32 v3  }
0x19e: {  	(erf) = vpow2.f32 v2;
	_ =	sdelay $0x1  }
0x19f: {  	v2 =	vld [tilespmem:$0x9C20];
	_ =	sdelay $0x4  }
0x1a0: {  	v3 =	vadd.f32 v2, v1  }
0x1a1: {  	v2 =	vpop (erf)  }
0x1a2: {  	v3 =	vsub.f32 $0.0e+00, v3;
	v4 =	vpop (erf)  }
0x1a3: {  	v4 =	vadd.f32 $1.000000000e+00, v4  }
0x1a4: {  	v3 =	vmul.f32 $1.442695020e+00, v3  }
0x1a5: {  	(erf) = vrcp.f32 v4  }
0x1a6: {  	(erf) = vpow2.f32 v3;
	_ =	sdelay $0x1  }
0x1a7: {  	v3 =	vld [tilespmem:$0x9C30];
	_ =	sdelay $0x4  }
0x1a8: {  	v13 =	vadd.f32 v3, v1  }
0x1a9: {  	v3 =	vpop (erf)  }
0x1aa: {  	v4 =	vsub.f32 $0.0e+00, v13;
	v5 =	vpop (erf)  }
0x1ab: {  	v5 =	vadd.f32 $1.000000000e+00, v5  }
0x1ac: {  	v4 =	vmul.f32 $1.442695020e+00, v4  }
0x1ad: {  	(erf) = vrcp.f32 v5  }
0x1ae: {  	(erf) = vpow2.f32 v4;
	_ =	sdelay $0x1  }
0x1af: {  	v14 =	vld [tilespmem:$0x9C40];
	_ =	sdelay $0x4  }
0x1b0: {  	v15 =	vadd.f32 v14, v1  }
0x1b1: {  	v4 =	vpop (erf)  }
0x1b2: {  	v5 =	vsub.f32 $0.0e+00, v15;
	v6 =	vpop (erf)  }
0x1b3: {  	v6 =	vadd.f32 $1.000000000e+00, v6  }
0x1b4: {  	v5 =	vmul.f32 $1.442695020e+00, v5  }
0x1b5: {  	(erf) = vrcp.f32 v6  }
0x1b6: {  	(erf) = vpow2.f32 v5;
	_ =	sdelay $0x1  }
0x1b7: {  	v16 =	vld [tilespmem:$0x9C50];
	_ =	sdelay $0x4  }
0x1b8: {  	v17 =	vadd.f32 v16, v1  }
0x1b9: {  	v5 =	vpop (erf)  }
0x1ba: {  	v6 =	vsub.f32 $0.0e+00, v17;
	v7 =	vpop (erf)  }
0x1bb: {  	v7 =	vadd.f32 $1.000000000e+00, v7  }
0x1bc: {  	v6 =	vmul.f32 $1.442695020e+00, v6  }
0x1bd: {  	(erf) = vrcp.f32 v7  }
0x1be: {  	(erf) = vpow2.f32 v6;
	_ =	sdelay $0x1  }
0x1bf: {  	v18 =	vld [tilespmem:$0x9C60];
	_ =	sdelay $0x4  }
0x1c0: {  	v19 =	vadd.f32 v18, v1  }
0x1c1: {  	v6 =	vpop (erf)  }
0x1c2: {  	v7 =	vsub.f32 $0.0e+00, v19;
	v8 =	vpop (erf)  }
0x1c3: {  	v8 =	vadd.f32 $1.000000000e+00, v8  }
0x1c4: {  	v7 =	vmul.f32 $1.442695020e+00, v7  }
0x1c5: {  	(erf) = vrcp.f32 v8  }
0x1c6: {  	(erf) = vpow2.f32 v7;
	_ =	sdelay $0x1  }
0x1c7: {  	v20 =	vld [tilespmem:$0x9C70];
	_ =	sdelay $0x4  }
0x1c8: {  	v21 =	vadd.f32 v20, v1  }
0x1c9: {  	v7 =	vpop (erf)  }
0x1ca: {  	v8 =	vsub.f32 $0.0e+00, v21;
	v9 =	vpop (erf)  }
0x1cb: {  	v9 =	vadd.f32 $1.000000000e+00, v9  }
0x1cc: {  	v8 =	vmul.f32 $1.442695020e+00, v8  }
0x1cd: {  	(erf) = vrcp.f32 v9  }
0x1ce: {  	(erf) = vpow2.f32 v8;
	_ =	sdelay $0x1  }
0x1cf: {  	v22 =	vld [tilespmem:$0x9C80];
	_ =	sdelay $0x4  }
0x1d0: {  	v23 =	vadd.f32 v22, v1  }
0x1d1: {  	v8 =	vpop (erf)  }
0x1d2: {  	v9 =	vsub.f32 $0.0e+00, v23;
	v10 =	vpop (erf)  }
0x1d3: {  	v10 =	vadd.f32 $1.000000000e+00, v10  }
0x1d4: {  	v9 =	vmul.f32 $1.442695020e+00, v9  }
0x1d5: {  	(erf) = vrcp.f32 v10  }
0x1d6: {  	(erf) = vpow2.f32 v9;
	_ =	sdelay $0x1  }
0x1d7: {  	v24 =	vld [tilespmem:$0x9C90];
	_ =	sdelay $0x4  }
0x1d8: {  	v25 =	vadd.f32 v24, v1  }
0x1d9: {  	v9 =	vpop (erf)  }
0x1da: {  	v10 =	vsub.f32 $0.0e+00, v25;
	v11 =	vpop (erf)  }
0x1db: {  	v11 =	vadd.f32 $1.000000000e+00, v11  }
0x1dc: {  	v10 =	vmul.f32 $1.442695020e+00, v10  }
0x1dd: {  	(erf) = vrcp.f32 v11  }
0x1de: {  	(erf) = vpow2.f32 v10;
	_ =	sdelay $0x1  }
0x1df: {  	v26 =	vld [tilespmem:$0x9CA0];
	_ =	sdelay $0x4  }
0x1e0: {  	v27 =	vadd.f32 v26, v1  }
0x1e1: {  	v10 =	vpop (erf)  }
0x1e2: {  	v11 =	vsub.f32 $0.0e+00, v27;
	v12 =	vpop (erf)  }
0x1e3: {  	v12 =	vadd.f32 $1.000000000e+00, v12  }
0x1e4: {  	v11 =	vmul.f32 $1.442695020e+00, v11  }
0x1e5: {  	(erf) = vrcp.f32 v12  }
0x1e6: {  	(erf) = vpow2.f32 v11;
	_ =	sdelay $0x1  }
0x1e7: {  	v28 =	vld [tilespmem:$0x9CB0];
	_ =	sdelay $0x4  }
0x1e8: {  	v29 =	vadd.f32 v28, v1  }
0x1e9: {  	v11 =	vpop (erf)  }
0x1ea: {  	v12 =	vsub.f32 $0.0e+00, v29;
	v13 =	vpop (erf)  }
0x1eb: {  	v13 =	vadd.f32 $1.000000000e+00, v13  }
0x1ec: {  	v12 =	vmul.f32 $1.442695020e+00, v12  }
0x1ed: {  	(erf) = vrcp.f32 v13  }
0x1ee: {  	(erf) = vpow2.f32 v12;
	_ =	sdelay $0x1  }
0x1ef: {  	v30 =	vld [tilespmem:$0x9CC0];
	_ =	sdelay $0x4  }
0x1f0: {  	v31 =	vadd.f32 v30, v1  }
0x1f1: {  	v12 =	vpop (erf)  }
0x1f2: {  	v13 =	vsub.f32 $0.0e+00, v31;
	v14 =	vpop (erf)  }
0x1f3: {  	v14 =	vadd.f32 $1.000000000e+00, v14  }
0x1f4: {  	v13 =	vmul.f32 $1.442695020e+00, v13  }
0x1f5: {  	(erf) = vrcp.f32 v14  }
0x1f6: {  	(erf) = vpow2.f32 v13;
	_ =	sdelay $0x1  }
0x1f7: {  	v32 =	vld [tilespmem:$0x9CD0];
	_ =	sdelay $0x4  }
0x1f8: {  	v33 =	vadd.f32 v32, v1  }
0x1f9: {  	v13 =	vpop (erf)  }
0x1fa: {  	v14 =	vsub.f32 $0.0e+00, v33;
	v15 =	vpop (erf)  }
0x1fb: {  	v15 =	vadd.f32 $1.000000000e+00, v15  }
0x1fc: {  	v14 =	vmul.f32 $1.442695020e+00, v14  }
0x1fd: {  	(erf) = vrcp.f32 v15  }
0x1fe: {  	(erf) = vpow2.f32 v14;
	_ =	sdelay $0x1  }
0x1ff: {  	v34 =	vld [tilespmem:$0x9CE0];
	_ =	sdelay $0x4  }
0x200: {  	v35 =	vadd.f32 v34, v1  }
0x201: {  	v36 =	vpop (erf)  }
0x202: {  	v15 =	vsub.f32 $0.0e+00, v35;
	v16 =	vpop (erf)  }
0x203: {  	v16 =	vadd.f32 $1.000000000e+00, v16  }
0x204: {  	v15 =	vmul.f32 $1.442695020e+00, v15  }
0x205: {  	(erf) = vrcp.f32 v16  }
0x206: {  	(erf) = vpow2.f32 v15;
	_ =	sdelay $0x1  }
0x207: {  	v37 =	vld [tilespmem:$0x9CF0];
	_ =	sdelay $0x4  }
0x208: {  	v38 =	vadd.f32 v37, v1  }
0x209: {  	v39 =	vpop (erf)  }
0x20a: {  	v16 =	vsub.f32 $0.0e+00, v38;
	v17 =	vpop (erf)  }
0x20b: {  	v17 =	vadd.f32 $1.000000000e+00, v17  }
0x20c: {  	v16 =	vmul.f32 $1.442695020e+00, v16  }
0x20d: {  	(erf) = vrcp.f32 v17  }
0x20e: {  	(erf) = vpow2.f32 v16;
	_ =	sdelay $0x1  }
0x20f: {  	v40 =	vld [tilespmem:$0x9D00];
	_ =	sdelay $0x4  }
0x210: {  	v41 =	vadd.f32 v40, v1  }
0x211: {  	v42 =	vpop (erf)  }
0x212: {  	v17 =	vsub.f32 $0.0e+00, v41;
	v18 =	vpop (erf)  }
0x213: {  	v18 =	vadd.f32 $1.000000000e+00, v18  }
0x214: {  	v17 =	vmul.f32 $1.442695020e+00, v17  }
0x215: {  	(erf) = vrcp.f32 v18  }
0x216: {  	(erf) = vpow2.f32 v17;
	_ =	sdelay $0x1  }
0x217: {  	v43 =	vld [tilespmem:$0x9D10];
	_ =	sdelay $0x4  }
0x218: {  	v44 =	vadd.f32 v43, v1  }
0x219: {  	v45 =	vpop (erf)  }
0x21a: {  	v18 =	vsub.f32 $0.0e+00, v44;
	v19 =	vpop (erf)  }
0x21b: {  	v19 =	vadd.f32 $1.000000000e+00, v19  }
0x21c: {  	v18 =	vmul.f32 $1.442695020e+00, v18  }
0x21d: {  	(erf) = vrcp.f32 v19  }
0x21e: {  	(erf) = vpow2.f32 v18;
	_ =	sdelay $0x1  }
0x21f: {  	v46 =	vld [tilespmem:$0x9D20];
	_ =	sdelay $0x4  }
0x220: {  	v47 =	vadd.f32 v46, v1  }
0x221: {  	v48 =	vpop (erf)  }
0x222: {  	v19 =	vsub.f32 $0.0e+00, v47;
	v20 =	vpop (erf)  }
0x223: {  	v20 =	vadd.f32 $1.000000000e+00, v20  }
0x224: {  	v19 =	vmul.f32 $1.442695020e+00, v19  }
0x225: {  	(erf) = vrcp.f32 v20  }
0x226: {  	(erf) = vpow2.f32 v19;
	_ =	sdelay $0x1  }
0x227: {  	v49 =	vld [tilespmem:$0x9D30];
	_ =	sdelay $0x4  }
0x228: {  	v50 =	vadd.f32 v49, v1  }
0x229: {  	v51 =	vpop (erf)  }
0x22a: {  	v20 =	vsub.f32 $0.0e+00, v50;
	v21 =	vpop (erf)  }
0x22b: {  	v21 =	vadd.f32 $1.000000000e+00, v21  }
0x22c: {  	v20 =	vmul.f32 $1.442695020e+00, v20  }
0x22d: {  	(erf) = vrcp.f32 v21  }
0x22e: {  	(erf) = vpow2.f32 v20;
	_ =	sdelay $0x1  }
0x22f: {  	v52 =	vld [tilespmem:$0x9D40];
	_ =	sdelay $0x4  }
0x230: {  	v20 =	vadd.f32 v52, v1  }
0x231: {  	v21 =	vpop (erf)  }
0x232: {  	v20 =	vsub.f32 $0.0e+00, v20;
	v22 =	vpop (erf)  }
0x233: {  	v22 =	vadd.f32 $1.000000000e+00, v22  }
0x234: {  	v20 =	vmul.f32 $1.442695020e+00, v20  }
0x235: {  	(erf) = vrcp.f32 v22  }
0x236: {  	(erf) = vpow2.f32 v20;
	_ =	sdelay $0x1  }
0x237: {  	v53 =	vld [tilespmem:$0x9D50];
	_ =	sdelay $0x4  }
0x238: {  	v20 =	vadd.f32 v53, v1  }
0x239: {  	v22 =	vpop (erf)  }
0x23a: {  	v20 =	vsub.f32 $0.0e+00, v20;
	v23 =	vpop (erf)  }
0x23b: {  	v23 =	vadd.f32 $1.000000000e+00, v23  }
0x23c: {  	v20 =	vmul.f32 $1.442695020e+00, v20  }
0x23d: {  	(erf) = vrcp.f32 v23  }
0x23e: {  	(erf) = vpow2.f32 v20;
	_ =	sdelay $0x1  }
0x23f: {  	v54 =	vld [tilespmem:$0x9D60];
	_ =	sdelay $0x4  }
0x240: {  	v20 =	vadd.f32 v54, v1  }
0x241: {  	v23 =	vpop (erf)  }
0x242: {  	v20 =	vsub.f32 $0.0e+00, v20;
	v24 =	vpop (erf)  }
0x243: {  	v24 =	vadd.f32 $1.000000000e+00, v24  }
0x244: {  	v20 =	vmul.f32 $1.442695020e+00, v20  }
0x245: {  	(erf) = vrcp.f32 v24  }
0x246: {  	(erf) = vpow2.f32 v20;
	_ =	sdelay $0x1  }
0x247: {  	v55 =	vld [tilespmem:$0x9D70];
	_ =	sdelay $0x4  }
0x248: {  	v20 =	vadd.f32 v55, v1  }
0x249: {  	v24 =	vpop (erf)  }
0x24a: {  	v20 =	vsub.f32 $0.0e+00, v20;
	v25 =	vpop (erf)  }
0x24b: {  	v25 =	vadd.f32 $1.000000000e+00, v25  }
0x24c: {  	v20 =	vmul.f32 $1.442695020e+00, v20  }
0x24d: {  	(erf) = vrcp.f32 v25  }
0x24e: {  	(erf) = vpow2.f32 v20;
	_ =	sdelay $0x1  }
0x24f: {  	v56 =	vld [tilespmem:$0x9D80];
	_ =	sdelay $0x4  }
0x250: {  	v20 =	vadd.f32 v56, v1  }
0x251: {  	v25 =	vpop (erf)  }
0x252: {  	v20 =	vsub.f32 $0.0e+00, v20;
	v26 =	vpop (erf)  }
0x253: {  	v26 =	vadd.f32 $1.000000000e+00, v26  }
0x254: {  	v20 =	vmul.f32 $1.442695020e+00, v20  }
0x255: {  	(erf) = vrcp.f32 v26  }
0x256: {  	(erf) = vpow2.f32 v20;
	_ =	sdelay $0x1  }
0x257: {  	v57 =	vld [tilespmem:$0x9D90];
	_ =	sdelay $0x4  }
0x258: {  	v20 =	vadd.f32 v57, v1  }
0x259: {  	v26 =	vpop (erf)  }
0x25a: {  	v20 =	vsub.f32 $0.0e+00, v20;
	v27 =	vpop (erf)  }
0x25b: {  	v27 =	vadd.f32 $1.000000000e+00, v27  }
0x25c: {  	v20 =	vmul.f32 $1.442695020e+00, v20  }
0x25d: {  	(erf) = vrcp.f32 v27  }
0x25e: {  	(erf) = vpow2.f32 v20;
	_ =	sdelay $0x1  }
0x25f: {  	v58 =	vld [tilespmem:$0x9DA0];
	_ =	sdelay $0x4  }
0x260: {  	v20 =	vadd.f32 v58, v1  }
0x261: {  	v27 =	vpop (erf)  }
0x262: {  	v20 =	vsub.f32 $0.0e+00, v20;
	v28 =	vpop (erf)  }
0x263: {  	v28 =	vadd.f32 $1.000000000e+00, v28  }
0x264: {  	v20 =	vmul.f32 $1.442695020e+00, v20  }
0x265: {  	(erf) = vrcp.f32 v28  }
0x266: {  	(erf) = vpow2.f32 v20;
	_ =	sdelay $0x1  }
0x267: {  	v59 =	vld [tilespmem:$0x9DB0];
	_ =	sdelay $0x4  }
0x268: {  	v20 =	vadd.f32 v59, v1  }
0x269: {  	v28 =	vpop (erf)  }
0x26a: {  	v20 =	vsub.f32 $0.0e+00, v20;
	v29 =	vpop (erf)  }
0x26b: {  	v29 =	vadd.f32 $1.000000000e+00, v29  }
0x26c: {  	v20 =	vmul.f32 $1.442695020e+00, v20  }
0x26d: {  	(erf) = vrcp.f32 v29  }
0x26e: {  	(erf) = vpow2.f32 v20;
	_ =	sdelay $0x1  }
0x26f: {  	v60 =	vld [tilespmem:$0x9DC0];
	_ =	sdelay $0x4  }
0x270: {  	v20 =	vadd.f32 v60, v1  }
0x271: {  	v29 =	vpop (erf)  }
0x272: {  	v20 =	vsub.f32 $0.0e+00, v20;
	v30 =	vpop (erf)  }
0x273: {  	v30 =	vadd.f32 $1.000000000e+00, v30  }
0x274: {  	v20 =	vmul.f32 $1.442695020e+00, v20  }
0x275: {  	(erf) = vrcp.f32 v30  }
0x276: {  	(erf) = vpow2.f32 v20;
	_ =	sdelay $0x1  }
0x277: {  	v61 =	vld [tilespmem:$0x9DD0];
	_ =	sdelay $0x4  }
0x278: {  	v20 =	vadd.f32 v61, v1  }
0x279: {  	v30 =	vpop (erf)  }
0x27a: {  	v20 =	vsub.f32 $0.0e+00, v20;
	v31 =	vpop (erf)  }
0x27b: {  	v31 =	vadd.f32 $1.000000000e+00, v31  }
0x27c: {  	v20 =	vmul.f32 $1.442695020e+00, v20  }
0x27d: {  	(erf) = vrcp.f32 v31  }
0x27e: {  	(erf) = vpow2.f32 v20;
	_ =	sdelay $0x1  }
0x27f: {  	v62 =	vld [tilespmem:$0x9DE0];
	_ =	sdelay $0x4  }
0x280: {  	v20 =	vadd.f32 v62, v1  }
0x281: {  	v31 =	vpop (erf)  }
0x282: {  	v20 =	vsub.f32 $0.0e+00, v20;
	v32 =	vpop (erf)  }
0x283: {  	v32 =	vadd.f32 $1.000000000e+00, v32  }
0x284: {  	v20 =	vmul.f32 $1.442695020e+00, v20  }
0x285: {  	(erf) = vrcp.f32 v32  }
0x286: {  	(erf) = vpow2.f32 v20;
	_ =	sdelay $0x1  }
0x287: {  	v63 =	vld [tilespmem:$0x9DF0];
	_ =	sdelay $0x1  }
0x288: {  	[tilespmem:$0x9E00] =	vst v2  }
0x289: {  	[tilespmem:$0x9E10] =	vst v3  }
0x28a: {  	[tilespmem:$0x9E20] =	vst v4  }
0x28b: {  	[tilespmem:$0x9E30] =	vst v5;
	v1 =	vadd.f32 v63, v1  }
0x28c: {  	[tilespmem:$0x9E40] =	vst v6;
	v2 =	vpop (erf)  }
0x28d: {  	[tilespmem:$0x9E50] =	vst v7;
	v1 =	vsub.f32 $0.0e+00, v1;
	v3 =	vpop (erf)  }
0x28e: {  	[tilespmem:$0x9E60] =	vst v8;
	v3 =	vadd.f32 $1.000000000e+00, v3  }
0x28f: {  	[tilespmem:$0x9E70] =	vst v9;
	v1 =	vmul.f32 $1.442695020e+00, v1  }
0x290: {  	[tilespmem:$0x9E80] =	vst v10;
	(erf) = vrcp.f32 v3  }
0x291: {  	[tilespmem:$0x9E90] =	vst v11;
	(erf) = vpow2.f32 v1  }
0x292: {  	[tilespmem:$0x9EA0] =	vst v12  }
0x293: {  	[tilespmem:$0x9EB0] =	vst v13  }
0x294: {  	[tilespmem:$0x9EC0] =	vst v36  }
0x295: {  	[tilespmem:$0x9ED0] =	vst v39  }
0x296: {  	[tilespmem:$0x9EE0] =	vst v42  }
0x297: {  	[tilespmem:$0x9EF0] =	vst v45  }
0x298: {  	[tilespmem:$0x9F00] =	vst v48  }
0x299: {  	[tilespmem:$0x9F10] =	vst v51;
	v1 =	vpop (erf)  }
0x29a: {  	[tilespmem:$0x9F20] =	vst v21;
	v3 =	vpop (erf)  }
0x29b: {  	[tilespmem:$0x9F30] =	vst v22;
	v3 =	vadd.f32 $1.000000000e+00, v3  }
0x29c: {  	[tilespmem:$0x9F40] =	vst v23  }
0x29d: {  	[tilespmem:$0x9F50] =	vst v24;
	(erf) = vrcp.f32 v3  }
0x29e: {  	[tilespmem:$0x9F60] =	vst v25  }
0x29f: {  	[tilespmem:$0x9F70] =	vst v26  }
0x2a0: {  	[tilespmem:$0x9F80] =	vst v27  }
0x2a1: {  	[tilespmem:$0x9F90] =	vst v28  }
0x2a2: {  	[tilespmem:$0x9FA0] =	vst v29  }
0x2a3: {  	[tilespmem:$0x9FB0] =	vst v30  }
0x2a4: {  	[tilespmem:$0x9FC0] =	vst v31  }
0x2a5: {  	[tilespmem:$0x9FD0] =	vst v2  }
0x2a6: {  	[tilespmem:$0x9FE0] =	vst v1;
	v1 =	vpop (erf)  }
0x2a7: {  	s10 =	simm.s32 $0x0;
	s2 =	rddreg [dreg:$0xd];
	s3 =	simm.s32 $0x9E00;
	[tilespmem:$0x9FF0] =	vst v1  }
0x2a8: {  	[hbm4b:s2+s10] =	stream.linear.scatter [tilespmem:s3], [sflag:$0x1B], $0x200, $0x38;
	[tilespmem:$0xA080] =	vst v63  }
0x2a9: {  	s3 =	simm.s32 $0x1B  }
0x2aa: {  	_ =	swait.ge [sflag:s3], $0x200  }
0x2ab: {  	s2 =	rddreg [dreg:$0xf]  }
0x2ac: {  	s11 =	rddreg [dreg:$0xe];
	s10 =	sadd.s32 $0x1, s2  }
0x2ad: {  	p0 =	sne.s32 s10, s11  }
.Ltmp1:
0x2ae: {  	_ = 	snop;
	(pc) =	sbr.rel @p0 .LBB2_1-.Ltmp1, $3  }
0x2af: {  	_ =	sdelay $0x1  }
0x2b0: {  	[sflag:s3] =	ssyncset.done $0x0  }
0x2b1: {  	[sflag:s3] =	ssyncadd.s32 $0xFFFFFE00  }
0x2b2: {  	_ =	sfence.sel $0x180000  }
0x2b3: {  	[bflag:$0x0] =	sbarrier.arrive $0xFFFF  }
0x2b4: {  	_ =	strace $0x90000047  }
0x2b5: {  	s0 =	stileid.u32;
	[bflag:$0x2] =	sbarrier.arrive $0xFFFF  }
0x2b6: {  	p0 =	sne.s32 s0, $0x0;
	s0 =	rddreg [dreg:$0x3]  }
0x2b7: {  	s0 =	sadd.s32 @!p0 $0x100000, s0  }
0x2b8: {  	[sflag:s0] =	ssyncadd.tile.s32 @!p0 $0x1;
	_ =	shalt  }
.Lfunc_end2:
_tile_overlayer_lowered:
.L_overlay_start_2:
0x2b9: {  	(tag) =	ssettag $0x2  }
0x2ba: {  	s0 =	rddreg [dreg:$0x0];
	s2 =	stileid.u32  }
0x2bb: {  	s1 =	rddreg [dreg:$0x1];
	p0 =	sne.s32 s2, $0x0  }
0x2bc: {  	s3 =	rddreg [dreg:$0x2];
	[bflag:$0x3] =	sbarrier.arrive $0xFFFF;
	s2 =	simm.s32 @!p0 $0x1C1B  }
0x2bd: {  	[timem:s3], [sflag:s2] =	dma.local @!p0 [hbm:s0], s1  }
0x2be: {  	s0 =	simm.s32 @!p0 $0x1B  }
0x2bf: {  	_ =	swait.ge @!p0 [sflag:s0], s1  }
0x2c0: {  	s1 =	ssub.s32 @!p0 $0x0, s1;
	[sflag:s0] =	ssyncset.done @!p0 $0x0  }
0x2c1: {  	[sflag:s0] =	ssyncadd.s32 @!p0 s1  }
0x2c2: {  	[bflag:$0x3] =	sbarrier.arrive $0xFFFF  }
0x2c3: {  	_ =	shalt  }

</sc_bundles>
